<compile_context>
chip_gen: v7x
topology: tpu7x:2x2x1
jax: 0.10.2.dev20260603
libtpu: 0.0.44.dev20260713+nightly
codegen_flags: <defaults>
</compile_context>

<pallas_src>
import functools

import jax
import jax.numpy as jnp
from jax import lax
from jax.experimental import pallas as pl
from jax.experimental.pallas import tpu as pltpu
from jax.experimental.pallas import tpu_sc as plsc

B, C, H, W, K = 32, 4, 128, 128, 128
HW = H * W
L = 16


def _rsqrt_plus_eps_inv(s):
    xi = plsc.bitcast(s, jnp.int32)
    yi = jnp.int32(0x5F3759DF) - lax.shift_right_logical(xi, 1)
    y = plsc.bitcast(yi, jnp.float32)
    for _ in range(3):
        y = y * (1.5 - 0.5 * s * y * y)
    sqrt_s = s * y
    return 1.0 / (sqrt_s + 1e-10)


def _sc_distances(feat, tp, tq):
    info = plsc.get_sparse_core_info()
    nc = info.num_cores
    mesh = plsc.VectorSubcoreMesh(core_axis_name="c", subcore_axis_name="s")

    @functools.partial(
        pl.kernel,
        mesh=mesh,
        out_type=jax.ShapeDtypeStruct((B, 2 * K), jnp.float32),
        compiler_params=pltpu.CompilerParams(needs_layout_passes=False),
        scratch_types=[
            pltpu.VMEM((C * H, W), jnp.float32),
            pltpu.VMEM((2, K), jnp.int32),
            pltpu.VMEM((2, K), jnp.int32),
            pltpu.VMEM((2 * K,), jnp.float32),
            pltpu.SemaphoreType.DMA,
        ],
    )
    def body(feat_hbm, tp_hbm, tq_hbm, out_hbm,
             feat_v, tp_v, tq_v, res_v, sem):
        wid = lax.axis_index("s") * nc + lax.axis_index("c")
        cp = pltpu.async_copy(feat_hbm.at[pl.ds(wid * C * H, C * H)], feat_v, sem)
        pltpu.sync_copy(tp_hbm.at[pl.ds(2 * wid, 2)], tp_v)
        pltpu.sync_copy(tq_hbm.at[pl.ds(2 * wid, 2)], tq_v)
        cp.wait()

        def gather_norm(idx):
            row = lax.shift_right_logical(idx, 7)
            col = lax.bitwise_and(idx, W - 1)
            fs = [plsc.load_gather(feat_v, [row + c * H, col]) for c in range(C)]
            s = fs[0] * fs[0] + fs[1] * fs[1] + fs[2] * fs[2] + fs[3] * fs[3]
            r = _rsqrt_plus_eps_inv(s)
            return [f * r for f in fs]

        def chunk(j, _):
            sl = pl.ds(j * L, L)
            n0 = gather_norm(tp_v[0, sl])
            n1 = gather_norm(tp_v[1, sl])
            d2 = jnp.zeros((L,), jnp.float32)
            for a, b in zip(n0, n1):
                d = a - b
                d2 = d2 + d * d
            res_v[sl] = d2

            p0 = gather_norm(tq_v[0, sl])
            p1 = gather_norm(tq_v[1, sl])
            l1 = jnp.zeros((L,), jnp.float32)
            for a, b in zip(p0, p1):
                l1 = l1 + jnp.abs(a - b)
            res_v[pl.ds(K + j * L, L)] = jnp.maximum(1.0 - l1, 0.0)
            return 0

        lax.fori_loop(0, K // L, chunk, 0, unroll=False)

        pltpu.sync_copy(res_v, out_hbm.at[wid])

    return body(feat, tp, tq)


def _finalize_body(res_ref, mp_ref, mq_ref, o_ref):
    mpf = mp_ref[...].astype(jnp.float32)
    mqf = mq_ref[...].astype(jnp.float32)
    v = res_ref[...]
    ps = jnp.sum(v[:, :K] * mpf)
    pc = jnp.sum(mpf)
    qs = jnp.sum(v[:, K:] * mqf)
    qc = jnp.sum(mqf)
    loss = ps / (pc + 1e-4) + qs / (qc + 1e-4)
    o_ref[...] = jnp.full((1, 1), loss, jnp.float32)


def kernel(output, tag_pull, tag_push, mask_pull, mask_push):
    feat = output.reshape(B * C * H, W)
    tp = tag_pull.transpose(0, 2, 1).reshape(2 * B, K)
    tq = tag_push.transpose(0, 2, 1).reshape(2 * B, K)
    res = _sc_distances(feat, tp, tq)
    loss = pl.pallas_call(
        _finalize_body,
        out_shape=jax.ShapeDtypeStruct((1, 1), jnp.float32),
    )(res, mask_pull, mask_push)
    return loss[0, 0]

# --- scband reference (transcript-rebuilt; emitter-appended) ---
"""Pipeline reference for scband-aeloss-2216203125373 (READ-ONLY COPY).

The authoritative reference and input builder live on the scoring server;
editing this copy changes nothing except your own understanding.
"""

import jax, jax.numpy as jnp
import numpy as np

B, C, H, W, K = 32, 4, 128, 128, 128


def setup_inputs(seed: int = 0) -> dict:
    key = jax.random.key(seed)
    k1, k2, k3, k4, k5 = jax.random.split(key, 5)
    output = jax.random.normal(k1, (B, C, H, W), dtype=jnp.float32)
    tag_pull = jax.random.randint(k2, (B, K, 2), 0, H * W)
    tag_push = jax.random.randint(k3, (B, K, 2), 0, H * W)
    mask_pull = jax.random.randint(k4, (B, K), 0, 2).astype(bool)
    mask_push = jax.random.randint(k5, (B, K), 0, 2).astype(bool)
    return {
        "output": output,
        "tag_pull": tag_pull,
        "tag_push": tag_push,
        "mask_pull": mask_pull,
        "mask_push": mask_push,
    }


def _transpose_and_gather_feat(output, ind):
    # output: [B, C, H, W] -> feat: [B, H*W, C]; gather along dim 1 by ind [B, K]
    b, c, h, w = output.shape
    feat = jnp.transpose(output, (0, 2, 3, 1)).reshape(b, h * w, c)
    return jnp.take_along_axis(feat, ind[:, :, None], axis=1)  # [B, K, C]


def reference(output, tag_pull, tag_push, mask_pull, mask_push):
    eps = 1e-10
    if output.shape[1] != 1:
        norm = jnp.sqrt(jnp.sum(output ** 2, axis=1, keepdims=True)) + eps
        output = output / norm
    pull_num = jnp.sum(mask_pull).astype(jnp.float32)
    pull_0 = _transpose_and_gather_feat(output, tag_pull[:, :, 0])
    pull_1 = _transpose_and_gather_feat(output, tag_pull[:, :, 1])
    pull_loss = jnp.sum((pull_0 - pull_1) ** 2, axis=2) / (pull_num + 0.0001)
    pull_loss = jnp.sum(jnp.where(mask_pull, pull_loss, 0.0))
    push_num = jnp.sum(mask_push).astype(jnp.float32)
    push_0 = _transpose_and_gather_feat(output, tag_push[:, :, 0])
    push_1 = _transpose_and_gather_feat(output, tag_push[:, :, 1])
    push_loss = (1.0 - jnp.sum(jnp.abs(push_0 - push_1), axis=2)) / (push_num + 0.0001)
    push_loss = jax.nn.relu(push_loss)
    push_loss = jnp.sum(jnp.where(mask_push, push_loss, 0.0))
    return pull_loss + push_loss

if __name__ == "__main__":
    import jax
    _d = setup_inputs()
    print(jax.jit(kernel)(*tuple(_d.values())))

</pallas_src>

<mosaic_0001>
#map = affine_map<(d0, d1) -> (0, 0)>
module attributes {stable_mosaic.version = 14 : i64} {
  func.func @body(%arg0: i32, %arg1: i32, %arg2: memref<16384x128xf32, #tpu.memory_space<hbm>>, %arg3: memref<64x128xi32, #tpu.memory_space<hbm>>, %arg4: memref<64x128xi32, #tpu.memory_space<hbm>>, %arg5: memref<32x256xf32, #tpu.memory_space<hbm>>, %arg6: memref<512x128xf32, #tpu.memory_space<vmem>>, %arg7: memref<2x128xi32, #tpu.memory_space<vmem>>, %arg8: memref<2x128xi32, #tpu.memory_space<vmem>>, %arg9: memref<256xf32, #tpu.memory_space<vmem>>, %arg10: memref<!tpu.dma_semaphore, #tpu.memory_space<semaphore_mem>>) attributes {dimension_semantics = [#tpu.dimension_semantics<core_parallel>, #tpu.dimension_semantics<subcore_parallel>], iteration_bounds = array<i64: 2, 16>, scalar_prefetch = 0 : i64, scratch_operands = 5 : i64, tpu.core_type = #tpu.core_type<sc_vector_subcore>, window_params = [{transform_indices = #map}, {transform_indices = #map}, {transform_indices = #map}, {transform_indices = #map}]} {
    %mul3A = arith.constant 2 : i32
    %mul3A_0 = arith.muli %arg1, %mul3A : i32
    %add3A = arith.addi %mul3A_0, %arg0 : i32
    %mul3A_1 = arith.constant 4 : i32
    %mul3A_2 = arith.muli %add3A, %mul3A_1 : i32
    %mul3A_3 = arith.constant 128 : i32
    %mul3A_4 = arith.muli %mul3A_2, %mul3A_3 : i32
    %dma_start3A = arith.constant 0 : i32
    %dma_start3A_5 = tpu.memref_slice %arg2[%mul3A_4, %dma_start3A] : memref<16384x128xf32, #tpu.memory_space<hbm>> -> memref<512x128xf32, #tpu.memory_space<hbm>>
    %dma_start3A_6 = arith.constant 0 : i32
    %dma_start3A_7 = tpu.memref_slice %arg2[%mul3A_4, %dma_start3A_6] : memref<16384x128xf32, #tpu.memory_space<hbm>> -> memref<512x128xf32, #tpu.memory_space<hbm>>
    tpu.enqueue_dma source(%dma_start3A_7 : memref<512x128xf32, #tpu.memory_space<hbm>>) target(%arg6 : memref<512x128xf32, #tpu.memory_space<vmem>>) target_semaphore(%arg10 : memref<!tpu.dma_semaphore, #tpu.memory_space<semaphore_mem>>)
    %mul3A_8 = arith.constant 2 : i32
    %mul3A_9 = arith.muli %mul3A_8, %add3A : i32
    "tpu.region"() ({
      %run_scoped3A = tpu.sem_alloc : memref<!tpu.dma_semaphore, #tpu.memory_space<semaphore_mem>>
      %dma_start3A_21 = arith.constant 0 : i32
      %dma_start3A_22 = tpu.memref_slice %arg3[%mul3A_9, %dma_start3A_21] : memref<64x128xi32, #tpu.memory_space<hbm>> -> memref<2x128xi32, #tpu.memory_space<hbm>>
      %dma_start3A_23 = arith.constant 0 : i32
      %dma_start3A_24 = tpu.memref_slice %arg3[%mul3A_9, %dma_start3A_23] : memref<64x128xi32, #tpu.memory_space<hbm>> -> memref<2x128xi32, #tpu.memory_space<hbm>>
      tpu.enqueue_dma source(%dma_start3A_24 : memref<2x128xi32, #tpu.memory_space<hbm>>) target(%arg7 : memref<2x128xi32, #tpu.memory_space<vmem>>) target_semaphore(%run_scoped3A : memref<!tpu.dma_semaphore, #tpu.memory_space<semaphore_mem>>)
      %dma_wait3A_25 = arith.constant 0 : i32
      %dma_wait3A_26 = tpu.memref_slice %arg3[%mul3A_9, %dma_wait3A_25] : memref<64x128xi32, #tpu.memory_space<hbm>> -> memref<2x128xi32, #tpu.memory_space<hbm>>
      %dma_wait3A_27 = arith.constant 0 : i32
      %dma_wait3A_28 = tpu.memref_slice %arg3[%mul3A_9, %dma_wait3A_27] : memref<64x128xi32, #tpu.memory_space<hbm>> -> memref<2x128xi32, #tpu.memory_space<hbm>>
      tpu.wait_dma2 semaphore(%run_scoped3A : memref<!tpu.dma_semaphore, #tpu.memory_space<semaphore_mem>>) src(%dma_wait3A_28 : memref<2x128xi32, #tpu.memory_space<hbm>>) dst(%arg7 : memref<2x128xi32, #tpu.memory_space<vmem>>)
      tpu.yield
    }) : () -> ()
    %mul3A_10 = arith.constant 2 : i32
    %mul3A_11 = arith.muli %mul3A_10, %add3A : i32
    "tpu.region"() ({
      %run_scoped3A = tpu.sem_alloc : memref<!tpu.dma_semaphore, #tpu.memory_space<semaphore_mem>>
      %dma_start3A_21 = arith.constant 0 : i32
      %dma_start3A_22 = tpu.memref_slice %arg4[%mul3A_11, %dma_start3A_21] : memref<64x128xi32, #tpu.memory_space<hbm>> -> memref<2x128xi32, #tpu.memory_space<hbm>>
      %dma_start3A_23 = arith.constant 0 : i32
      %dma_start3A_24 = tpu.memref_slice %arg4[%mul3A_11, %dma_start3A_23] : memref<64x128xi32, #tpu.memory_space<hbm>> -> memref<2x128xi32, #tpu.memory_space<hbm>>
      tpu.enqueue_dma source(%dma_start3A_24 : memref<2x128xi32, #tpu.memory_space<hbm>>) target(%arg8 : memref<2x128xi32, #tpu.memory_space<vmem>>) target_semaphore(%run_scoped3A : memref<!tpu.dma_semaphore, #tpu.memory_space<semaphore_mem>>)
      %dma_wait3A_25 = arith.constant 0 : i32
      %dma_wait3A_26 = tpu.memref_slice %arg4[%mul3A_11, %dma_wait3A_25] : memref<64x128xi32, #tpu.memory_space<hbm>> -> memref<2x128xi32, #tpu.memory_space<hbm>>
      %dma_wait3A_27 = arith.constant 0 : i32
      %dma_wait3A_28 = tpu.memref_slice %arg4[%mul3A_11, %dma_wait3A_27] : memref<64x128xi32, #tpu.memory_space<hbm>> -> memref<2x128xi32, #tpu.memory_space<hbm>>
      tpu.wait_dma2 semaphore(%run_scoped3A : memref<!tpu.dma_semaphore, #tpu.memory_space<semaphore_mem>>) src(%dma_wait3A_28 : memref<2x128xi32, #tpu.memory_space<hbm>>) dst(%arg8 : memref<2x128xi32, #tpu.memory_space<vmem>>)
      tpu.yield
    }) : () -> ()
    %dma_wait3A = arith.constant 0 : i32
    %dma_wait3A_12 = tpu.memref_slice %arg2[%mul3A_4, %dma_wait3A] : memref<16384x128xf32, #tpu.memory_space<hbm>> -> memref<512x128xf32, #tpu.memory_space<hbm>>
    %dma_wait3A_13 = arith.constant 0 : i32
    %dma_wait3A_14 = tpu.memref_slice %arg2[%mul3A_4, %dma_wait3A_13] : memref<16384x128xf32, #tpu.memory_space<hbm>> -> memref<512x128xf32, #tpu.memory_space<hbm>>
    tpu.wait_dma2 semaphore(%arg10 : memref<!tpu.dma_semaphore, #tpu.memory_space<semaphore_mem>>) src(%dma_wait3A_14 : memref<512x128xf32, #tpu.memory_space<hbm>>) dst(%arg6 : memref<512x128xf32, #tpu.memory_space<vmem>>)
    %scan3A = arith.constant 0 : i32
    %scan3A_15 = arith.constant 0 : i32
    %scan3A_16 = arith.constant 8 : i32
    %scan3A_17 = arith.addi %scan3A_15, %scan3A_16 : i32
    %scan3A_18 = arith.constant 1 : i32
    %scan3A_19 = scf.for %scan3A_21 = %scan3A_15 to %scan3A_17 step %scan3A_18 iter_args(%scan3A_22 = %scan3A) -> (i32)  : i32 {
      %mul3A_23 = arith.constant 16 : i32
      %mul3A_24 = arith.muli %scan3A_21, %mul3A_23 : i32
      %get3A = arith.constant 0 : i32
      %get3A_25 = arith.index_cast %get3A : i32 to index
      %get3A_26 = arith.index_cast %mul3A_24 : i32 to index
      %get3A_27 = tpu.vector_load %arg7[%get3A_25, %get3A_26] {strides = array<i32>} : memref<2x128xi32, #tpu.memory_space<vmem>>, vector<16xi32>,
      %shift_right_logical3A = arith.constant 7 : i32
      %shift_right_logical3A_28 = vector.broadcast %shift_right_logical3A : i32 to vector<16xi32>
      %shift_right_logical3A_29 = arith.shrui %get3A_27, %shift_right_logical3A_28 : vector<16xi32>
      %and3A = arith.constant 127 : i32
      %and3A_30 = vector.broadcast %and3A : i32 to vector<16xi32>
      %and3A_31 = arith.andi %get3A_27, %and3A_30 : vector<16xi32>
      %add3A_32 = arith.constant 0 : i32
      %add3A_33 = vector.broadcast %add3A_32 : i32 to vector<16xi32>
      %add3A_34 = arith.addi %shift_right_logical3A_29, %add3A_33 : vector<16xi32>
      %gather3A = tpu.vector_load_idx %arg6[%add3A_34, %and3A_31] : memref<512x128xf32, #tpu.memory_space<vmem>>[vector<16xi32>, vector<16xi32>], vector<16xf32>,
      %add3A_35 = arith.constant 128 : i32
      %add3A_36 = vector.broadcast %add3A_35 : i32 to vector<16xi32>
      %add3A_37 = arith.addi %shift_right_logical3A_29, %add3A_36 : vector<16xi32>
      %gather3A_38 = tpu.vector_load_idx %arg6[%add3A_37, %and3A_31] : memref<512x128xf32, #tpu.memory_space<vmem>>[vector<16xi32>, vector<16xi32>], vector<16xf32>,
      %add3A_39 = arith.constant 256 : i32
      %add3A_40 = vector.broadcast %add3A_39 : i32 to vector<16xi32>
      %add3A_41 = arith.addi %shift_right_logical3A_29, %add3A_40 : vector<16xi32>
      %gather3A_42 = tpu.vector_load_idx %arg6[%add3A_41, %and3A_31] : memref<512x128xf32, #tpu.memory_space<vmem>>[vector<16xi32>, vector<16xi32>], vector<16xf32>,
      %add3A_43 = arith.constant 384 : i32
      %add3A_44 = vector.broadcast %add3A_43 : i32 to vector<16xi32>
      %add3A_45 = arith.addi %shift_right_logical3A_29, %add3A_44 : vector<16xi32>
      %gather3A_46 = tpu.vector_load_idx %arg6[%add3A_45, %and3A_31] : memref<512x128xf32, #tpu.memory_space<vmem>>[vector<16xi32>, vector<16xi32>], vector<16xf32>,
      %mul3A_47 = arith.mulf %gather3A, %gather3A : vector<16xf32>
      %mul3A_48 = arith.mulf %gather3A_38, %gather3A_38 : vector<16xf32>
      %add3A_49 = arith.addf %mul3A_47, %mul3A_48 : vector<16xf32>
      %mul3A_50 = arith.mulf %gather3A_42, %gather3A_42 : vector<16xf32>
      %add3A_51 = arith.addf %add3A_49, %mul3A_50 : vector<16xf32>
      %mul3A_52 = arith.mulf %gather3A_46, %gather3A_46 : vector<16xf32>
      %add3A_53 = arith.addf %add3A_51, %mul3A_52 : vector<16xf32>
      %bitcast3A = vector.bitcast %add3A_53 : vector<16xf32> to vector<16xi32>
      %shift_right_logical3A_54 = arith.constant 1 : i32
      %shift_right_logical3A_55 = vector.broadcast %shift_right_logical3A_54 : i32 to vector<16xi32>
      %shift_right_logical3A_56 = arith.shrui %bitcast3A, %shift_right_logical3A_55 : vector<16xi32>
      %sub3A = arith.constant 1597463007 : i32
      %sub3A_57 = vector.broadcast %sub3A : i32 to vector<16xi32>
      %sub3A_58 = arith.subi %sub3A_57, %shift_right_logical3A_56 : vector<16xi32>
      %bitcast3A_59 = vector.bitcast %sub3A_58 : vector<16xi32> to vector<16xf32>
      %mul3A_60 = arith.constant 5.000000e-01 : f32
      %mul3A_61 = vector.broadcast %mul3A_60 : f32 to vector<16xf32>
      %mul3A_62 = arith.mulf %mul3A_61, %add3A_53 : vector<16xf32>
      %mul3A_63 = arith.mulf %mul3A_62, %bitcast3A_59 : vector<16xf32>
      %mul3A_64 = arith.mulf %mul3A_63, %bitcast3A_59 : vector<16xf32>
      %sub3A_65 = arith.constant 1.500000e+00 : f32
      %sub3A_66 = vector.broadcast %sub3A_65 : f32 to vector<16xf32>
      %sub3A_67 = arith.subf %sub3A_66, %mul3A_64 : vector<16xf32>
      %mul3A_68 = arith.mulf %bitcast3A_59, %sub3A_67 : vector<16xf32>
      %mul3A_69 = arith.constant 5.000000e-01 : f32
      %mul3A_70 = vector.broadcast %mul3A_69 : f32 to vector<16xf32>
      %mul3A_71 = arith.mulf %mul3A_70, %add3A_53 : vector<16xf32>
      %mul3A_72 = arith.mulf %mul3A_71, %mul3A_68 : vector<16xf32>
      %mul3A_73 = arith.mulf %mul3A_72, %mul3A_68 : vector<16xf32>
      %sub3A_74 = arith.constant 1.500000e+00 : f32
      %sub3A_75 = vector.broadcast %sub3A_74 : f32 to vector<16xf32>
      %sub3A_76 = arith.subf %sub3A_75, %mul3A_73 : vector<16xf32>
      %mul3A_77 = arith.mulf %mul3A_68, %sub3A_76 : vector<16xf32>
      %mul3A_78 = arith.constant 5.000000e-01 : f32
      %mul3A_79 = vector.broadcast %mul3A_78 : f32 to vector<16xf32>
      %mul3A_80 = arith.mulf %mul3A_79, %add3A_53 : vector<16xf32>
      %mul3A_81 = arith.mulf %mul3A_80, %mul3A_77 : vector<16xf32>
      %mul3A_82 = arith.mulf %mul3A_81, %mul3A_77 : vector<16xf32>
      %sub3A_83 = arith.constant 1.500000e+00 : f32
      %sub3A_84 = vector.broadcast %sub3A_83 : f32 to vector<16xf32>
      %sub3A_85 = arith.subf %sub3A_84, %mul3A_82 : vector<16xf32>
      %mul3A_86 = arith.mulf %mul3A_77, %sub3A_85 : vector<16xf32>
      %mul3A_87 = arith.mulf %add3A_53, %mul3A_86 : vector<16xf32>
      %add3A_88 = arith.constant 1.000000e-10 : f32
      %add3A_89 = vector.broadcast %add3A_88 : f32 to vector<16xf32>
      %add3A_90 = arith.addf %mul3A_87, %add3A_89 : vector<16xf32>
      %div3A = arith.constant 1.000000e+00 : f32
      %div3A_91 = vector.broadcast %div3A : f32 to vector<16xf32>
      %div3A_92 = arith.divf %div3A_91, %add3A_90 : vector<16xf32>
      %mul3A_93 = arith.mulf %gather3A, %div3A_92 : vector<16xf32>
      %mul3A_94 = arith.mulf %gather3A_38, %div3A_92 : vector<16xf32>
      %mul3A_95 = arith.mulf %gather3A_42, %div3A_92 : vector<16xf32>
      %mul3A_96 = arith.mulf %gather3A_46, %div3A_92 : vector<16xf32>
      %get3A_97 = arith.constant 1 : i32
      %get3A_98 = arith.index_cast %get3A_97 : i32 to index
      %get3A_99 = arith.index_cast %mul3A_24 : i32 to index
      %get3A_100 = tpu.vector_load %arg7[%get3A_98, %get3A_99] {strides = array<i32>} : memref<2x128xi32, #tpu.memory_space<vmem>>, vector<16xi32>,
      %shift_right_logical3A_101 = arith.constant 7 : i32
      %shift_right_logical3A_102 = vector.broadcast %shift_right_logical3A_101 : i32 to vector<16xi32>
      %shift_right_logical3A_103 = arith.shrui %get3A_100, %shift_right_logical3A_102 : vector<16xi32>
      %and3A_104 = arith.constant 127 : i32
      %and3A_105 = vector.broadcast %and3A_104 : i32 to vector<16xi32>
      %and3A_106 = arith.andi %get3A_100, %and3A_105 : vector<16xi32>
      %add3A_107 = arith.constant 0 : i32
      %add3A_108 = vector.broadcast %add3A_107 : i32 to vector<16xi32>
      %add3A_109 = arith.addi %shift_right_logical3A_103, %add3A_108 : vector<16xi32>
      %gather3A_110 = tpu.vector_load_idx %arg6[%add3A_109, %and3A_106] : memref<512x128xf32, #tpu.memory_space<vmem>>[vector<16xi32>, vector<16xi32>], vector<16xf32>,
      %add3A_111 = arith.constant 128 : i32
      %add3A_112 = vector.broadcast %add3A_111 : i32 to vector<16xi32>
      %add3A_113 = arith.addi %shift_right_logical3A_103, %add3A_112 : vector<16xi32>
      %gather3A_114 = tpu.vector_load_idx %arg6[%add3A_113, %and3A_106] : memref<512x128xf32, #tpu.memory_space<vmem>>[vector<16xi32>, vector<16xi32>], vector<16xf32>,
      %add3A_115 = arith.constant 256 : i32
      %add3A_116 = vector.broadcast %add3A_115 : i32 to vector<16xi32>
      %add3A_117 = arith.addi %shift_right_logical3A_103, %add3A_116 : vector<16xi32>
      %gather3A_118 = tpu.vector_load_idx %arg6[%add3A_117, %and3A_106] : memref<512x128xf32, #tpu.memory_space<vmem>>[vector<16xi32>, vector<16xi32>], vector<16xf32>,
      %add3A_119 = arith.constant 384 : i32
      %add3A_120 = vector.broadcast %add3A_119 : i32 to vector<16xi32>
      %add3A_121 = arith.addi %shift_right_logical3A_103, %add3A_120 : vector<16xi32>
      %gather3A_122 = tpu.vector_load_idx %arg6[%add3A_121, %and3A_106] : memref<512x128xf32, #tpu.memory_space<vmem>>[vector<16xi32>, vector<16xi32>], vector<16xf32>,
      %mul3A_123 = arith.mulf %gather3A_110, %gather3A_110 : vector<16xf32>
      %mul3A_124 = arith.mulf %gather3A_114, %gather3A_114 : vector<16xf32>
      %add3A_125 = arith.addf %mul3A_123, %mul3A_124 : vector<16xf32>
      %mul3A_126 = arith.mulf %gather3A_118, %gather3A_118 : vector<16xf32>
      %add3A_127 = arith.addf %add3A_125, %mul3A_126 : vector<16xf32>
      %mul3A_128 = arith.mulf %gather3A_122, %gather3A_122 : vector<16xf32>
      %add3A_129 = arith.addf %add3A_127, %mul3A_128 : vector<16xf32>
      %bitcast3A_130 = vector.bitcast %add3A_129 : vector<16xf32> to vector<16xi32>
      %shift_right_logical3A_131 = arith.constant 1 : i32
      %shift_right_logical3A_132 = vector.broadcast %shift_right_logical3A_131 : i32 to vector<16xi32>
      %shift_right_logical3A_133 = arith.shrui %bitcast3A_130, %shift_right_logical3A_132 : vector<16xi32>
      %sub3A_134 = arith.constant 1597463007 : i32
      %sub3A_135 = vector.broadcast %sub3A_134 : i32 to vector<16xi32>
      %sub3A_136 = arith.subi %sub3A_135, %shift_right_logical3A_133 : vector<16xi32>
      %bitcast3A_137 = vector.bitcast %sub3A_136 : vector<16xi32> to vector<16xf32>
      %mul3A_138 = arith.constant 5.000000e-01 : f32
      %mul3A_139 = vector.broadcast %mul3A_138 : f32 to vector<16xf32>
      %mul3A_140 = arith.mulf %mul3A_139, %add3A_129 : vector<16xf32>
      %mul3A_141 = arith.mulf %mul3A_140, %bitcast3A_137 : vector<16xf32>
      %mul3A_142 = arith.mulf %mul3A_141, %bitcast3A_137 : vector<16xf32>
      %sub3A_143 = arith.constant 1.500000e+00 : f32
      %sub3A_144 = vector.broadcast %sub3A_143 : f32 to vector<16xf32>
      %sub3A_145 = arith.subf %sub3A_144, %mul3A_142 : vector<16xf32>
      %mul3A_146 = arith.mulf %bitcast3A_137, %sub3A_145 : vector<16xf32>
      %mul3A_147 = arith.constant 5.000000e-01 : f32
      %mul3A_148 = vector.broadcast %mul3A_147 : f32 to vector<16xf32>
      %mul3A_149 = arith.mulf %mul3A_148, %add3A_129 : vector<16xf32>
      %mul3A_150 = arith.mulf %mul3A_149, %mul3A_146 : vector<16xf32>
      %mul3A_151 = arith.mulf %mul3A_150, %mul3A_146 : vector<16xf32>
      %sub3A_152 = arith.constant 1.500000e+00 : f32
      %sub3A_153 = vector.broadcast %sub3A_152 : f32 to vector<16xf32>
      %sub3A_154 = arith.subf %sub3A_153, %mul3A_151 : vector<16xf32>
      %mul3A_155 = arith.mulf %mul3A_146, %sub3A_154 : vector<16xf32>
      %mul3A_156 = arith.constant 5.000000e-01 : f32
      %mul3A_157 = vector.broadcast %mul3A_156 : f32 to vector<16xf32>
      %mul3A_158 = arith.mulf %mul3A_157, %add3A_129 : vector<16xf32>
      %mul3A_159 = arith.mulf %mul3A_158, %mul3A_155 : vector<16xf32>
      %mul3A_160 = arith.mulf %mul3A_159, %mul3A_155 : vector<16xf32>
      %sub3A_161 = arith.constant 1.500000e+00 : f32
      %sub3A_162 = vector.broadcast %sub3A_161 : f32 to vector<16xf32>
      %sub3A_163 = arith.subf %sub3A_162, %mul3A_160 : vector<16xf32>
      %mul3A_164 = arith.mulf %mul3A_155, %sub3A_163 : vector<16xf32>
      %mul3A_165 = arith.mulf %add3A_129, %mul3A_164 : vector<16xf32>
      %add3A_166 = arith.constant 1.000000e-10 : f32
      %add3A_167 = vector.broadcast %add3A_166 : f32 to vector<16xf32>
      %add3A_168 = arith.addf %mul3A_165, %add3A_167 : vector<16xf32>
      %div3A_169 = arith.constant 1.000000e+00 : f32
      %div3A_170 = vector.broadcast %div3A_169 : f32 to vector<16xf32>
      %div3A_171 = arith.divf %div3A_170, %add3A_168 : vector<16xf32>
      %mul3A_172 = arith.mulf %gather3A_110, %div3A_171 : vector<16xf32>
      %mul3A_173 = arith.mulf %gather3A_114, %div3A_171 : vector<16xf32>
      %mul3A_174 = arith.mulf %gather3A_118, %div3A_171 : vector<16xf32>
      %mul3A_175 = arith.mulf %gather3A_122, %div3A_171 : vector<16xf32>
      %broadcast_in_dim3A = arith.constant 0.000000e+00 : f32
      %broadcast_in_dim3A_176 = vector.broadcast %broadcast_in_dim3A : f32 to vector<16xf32>
      %sub3A_177 = arith.subf %mul3A_93, %mul3A_172 : vector<16xf32>
      %mul3A_178 = arith.mulf %sub3A_177, %sub3A_177 : vector<16xf32>
      %add3A_179 = arith.addf %broadcast_in_dim3A_176, %mul3A_178 : vector<16xf32>
      %sub3A_180 = arith.subf %mul3A_94, %mul3A_173 : vector<16xf32>
      %mul3A_181 = arith.mulf %sub3A_180, %sub3A_180 : vector<16xf32>
      %add3A_182 = arith.addf %add3A_179, %mul3A_181 : vector<16xf32>
      %sub3A_183 = arith.subf %mul3A_95, %mul3A_174 : vector<16xf32>
      %mul3A_184 = arith.mulf %sub3A_183, %sub3A_183 : vector<16xf32>
      %add3A_185 = arith.addf %add3A_182, %mul3A_184 : vector<16xf32>
      %sub3A_186 = arith.subf %mul3A_96, %mul3A_175 : vector<16xf32>
      %mul3A_187 = arith.mulf %sub3A_186, %sub3A_186 : vector<16xf32>
      %add3A_188 = arith.addf %add3A_185, %mul3A_187 : vector<16xf32>
      %swap3A = arith.index_cast %mul3A_24 : i32 to index
      %swap3A_189 = tpu.vector_load %arg9[%swap3A] {strides = array<i32>} : memref<256xf32, #tpu.memory_space<vmem>>, vector<16xf32>,
      tpu.vector_store %arg9[%swap3A], %add3A_188 {strides = array<i32>} : memref<256xf32, #tpu.memory_space<vmem>>, vector<16xf32>,
      %get3A_190 = arith.constant 0 : i32
      %get3A_191 = arith.index_cast %get3A_190 : i32 to index
      %get3A_192 = arith.index_cast %mul3A_24 : i32 to index
      %get3A_193 = tpu.vector_load %arg8[%get3A_191, %get3A_192] {strides = array<i32>} : memref<2x128xi32, #tpu.memory_space<vmem>>, vector<16xi32>,
      %shift_right_logical3A_194 = arith.constant 7 : i32
      %shift_right_logical3A_195 = vector.broadcast %shift_right_logical3A_194 : i32 to vector<16xi32>
      %shift_right_logical3A_196 = arith.shrui %get3A_193, %shift_right_logical3A_195 : vector<16xi32>
      %and3A_197 = arith.constant 127 : i32
      %and3A_198 = vector.broadcast %and3A_197 : i32 to vector<16xi32>
      %and3A_199 = arith.andi %get3A_193, %and3A_198 : vector<16xi32>
      %add3A_200 = arith.constant 0 : i32
      %add3A_201 = vector.broadcast %add3A_200 : i32 to vector<16xi32>
      %add3A_202 = arith.addi %shift_right_logical3A_196, %add3A_201 : vector<16xi32>
      %gather3A_203 = tpu.vector_load_idx %arg6[%add3A_202, %and3A_199] : memref<512x128xf32, #tpu.memory_space<vmem>>[vector<16xi32>, vector<16xi32>], vector<16xf32>,
      %add3A_204 = arith.constant 128 : i32
      %add3A_205 = vector.broadcast %add3A_204 : i32 to vector<16xi32>
      %add3A_206 = arith.addi %shift_right_logical3A_196, %add3A_205 : vector<16xi32>
      %gather3A_207 = tpu.vector_load_idx %arg6[%add3A_206, %and3A_199] : memref<512x128xf32, #tpu.memory_space<vmem>>[vector<16xi32>, vector<16xi32>], vector<16xf32>,
      %add3A_208 = arith.constant 256 : i32
      %add3A_209 = vector.broadcast %add3A_208 : i32 to vector<16xi32>
      %add3A_210 = arith.addi %shift_right_logical3A_196, %add3A_209 : vector<16xi32>
      %gather3A_211 = tpu.vector_load_idx %arg6[%add3A_210, %and3A_199] : memref<512x128xf32, #tpu.memory_space<vmem>>[vector<16xi32>, vector<16xi32>], vector<16xf32>,
      %add3A_212 = arith.constant 384 : i32
      %add3A_213 = vector.broadcast %add3A_212 : i32 to vector<16xi32>
      %add3A_214 = arith.addi %shift_right_logical3A_196, %add3A_213 : vector<16xi32>
      %gather3A_215 = tpu.vector_load_idx %arg6[%add3A_214, %and3A_199] : memref<512x128xf32, #tpu.memory_space<vmem>>[vector<16xi32>, vector<16xi32>], vector<16xf32>,
      %mul3A_216 = arith.mulf %gather3A_203, %gather3A_203 : vector<16xf32>
      %mul3A_217 = arith.mulf %gather3A_207, %gather3A_207 : vector<16xf32>
      %add3A_218 = arith.addf %mul3A_216, %mul3A_217 : vector<16xf32>
      %mul3A_219 = arith.mulf %gather3A_211, %gather3A_211 : vector<16xf32>
      %add3A_220 = arith.addf %add3A_218, %mul3A_219 : vector<16xf32>
      %mul3A_221 = arith.mulf %gather3A_215, %gather3A_215 : vector<16xf32>
      %add3A_222 = arith.addf %add3A_220, %mul3A_221 : vector<16xf32>
      %bitcast3A_223 = vector.bitcast %add3A_222 : vector<16xf32> to vector<16xi32>
      %shift_right_logical3A_224 = arith.constant 1 : i32
      %shift_right_logical3A_225 = vector.broadcast %shift_right_logical3A_224 : i32 to vector<16xi32>
      %shift_right_logical3A_226 = arith.shrui %bitcast3A_223, %shift_right_logical3A_225 : vector<16xi32>
      %sub3A_227 = arith.constant 1597463007 : i32
      %sub3A_228 = vector.broadcast %sub3A_227 : i32 to vector<16xi32>
      %sub3A_229 = arith.subi %sub3A_228, %shift_right_logical3A_226 : vector<16xi32>
      %bitcast3A_230 = vector.bitcast %sub3A_229 : vector<16xi32> to vector<16xf32>
      %mul3A_231 = arith.constant 5.000000e-01 : f32
      %mul3A_232 = vector.broadcast %mul3A_231 : f32 to vector<16xf32>
      %mul3A_233 = arith.mulf %mul3A_232, %add3A_222 : vector<16xf32>
      %mul3A_234 = arith.mulf %mul3A_233, %bitcast3A_230 : vector<16xf32>
      %mul3A_235 = arith.mulf %mul3A_234, %bitcast3A_230 : vector<16xf32>
      %sub3A_236 = arith.constant 1.500000e+00 : f32
      %sub3A_237 = vector.broadcast %sub3A_236 : f32 to vector<16xf32>
      %sub3A_238 = arith.subf %sub3A_237, %mul3A_235 : vector<16xf32>
      %mul3A_239 = arith.mulf %bitcast3A_230, %sub3A_238 : vector<16xf32>
      %mul3A_240 = arith.constant 5.000000e-01 : f32
      %mul3A_241 = vector.broadcast %mul3A_240 : f32 to vector<16xf32>
      %mul3A_242 = arith.mulf %mul3A_241, %add3A_222 : vector<16xf32>
      %mul3A_243 = arith.mulf %mul3A_242, %mul3A_239 : vector<16xf32>
      %mul3A_244 = arith.mulf %mul3A_243, %mul3A_239 : vector<16xf32>
      %sub3A_245 = arith.constant 1.500000e+00 : f32
      %sub3A_246 = vector.broadcast %sub3A_245 : f32 to vector<16xf32>
      %sub3A_247 = arith.subf %sub3A_246, %mul3A_244 : vector<16xf32>
      %mul3A_248 = arith.mulf %mul3A_239, %sub3A_247 : vector<16xf32>
      %mul3A_249 = arith.constant 5.000000e-01 : f32
      %mul3A_250 = vector.broadcast %mul3A_249 : f32 to vector<16xf32>
      %mul3A_251 = arith.mulf %mul3A_250, %add3A_222 : vector<16xf32>
      %mul3A_252 = arith.mulf %mul3A_251, %mul3A_248 : vector<16xf32>
      %mul3A_253 = arith.mulf %mul3A_252, %mul3A_248 : vector<16xf32>
      %sub3A_254 = arith.constant 1.500000e+00 : f32
      %sub3A_255 = vector.broadcast %sub3A_254 : f32 to vector<16xf32>
      %sub3A_256 = arith.subf %sub3A_255, %mul3A_253 : vector<16xf32>
      %mul3A_257 = arith.mulf %mul3A_248, %sub3A_256 : vector<16xf32>
      %mul3A_258 = arith.mulf %add3A_222, %mul3A_257 : vector<16xf32>
      %add3A_259 = arith.constant 1.000000e-10 : f32
      %add3A_260 = vector.broadcast %add3A_259 : f32 to vector<16xf32>
      %add3A_261 = arith.addf %mul3A_258, %add3A_260 : vector<16xf32>
      %div3A_262 = arith.constant 1.000000e+00 : f32
      %div3A_263 = vector.broadcast %div3A_262 : f32 to vector<16xf32>
      %div3A_264 = arith.divf %div3A_263, %add3A_261 : vector<16xf32>
      %mul3A_265 = arith.mulf %gather3A_203, %div3A_264 : vector<16xf32>
      %mul3A_266 = arith.mulf %gather3A_207, %div3A_264 : vector<16xf32>
      %mul3A_267 = arith.mulf %gather3A_211, %div3A_264 : vector<16xf32>
      %mul3A_268 = arith.mulf %gather3A_215, %div3A_264 : vector<16xf32>
      %get3A_269 = arith.constant 1 : i32
      %get3A_270 = arith.index_cast %get3A_269 : i32 to index
      %get3A_271 = arith.index_cast %mul3A_24 : i32 to index
      %get3A_272 = tpu.vector_load %arg8[%get3A_270, %get3A_271] {strides = array<i32>} : memref<2x128xi32, #tpu.memory_space<vmem>>, vector<16xi32>,
      %shift_right_logical3A_273 = arith.constant 7 : i32
      %shift_right_logical3A_274 = vector.broadcast %shift_right_logical3A_273 : i32 to vector<16xi32>
      %shift_right_logical3A_275 = arith.shrui %get3A_272, %shift_right_logical3A_274 : vector<16xi32>
      %and3A_276 = arith.constant 127 : i32
      %and3A_277 = vector.broadcast %and3A_276 : i32 to vector<16xi32>
      %and3A_278 = arith.andi %get3A_272, %and3A_277 : vector<16xi32>
      %add3A_279 = arith.constant 0 : i32
      %add3A_280 = vector.broadcast %add3A_279 : i32 to vector<16xi32>
      %add3A_281 = arith.addi %shift_right_logical3A_275, %add3A_280 : vector<16xi32>
      %gather3A_282 = tpu.vector_load_idx %arg6[%add3A_281, %and3A_278] : memref<512x128xf32, #tpu.memory_space<vmem>>[vector<16xi32>, vector<16xi32>], vector<16xf32>,
      %add3A_283 = arith.constant 128 : i32
      %add3A_284 = vector.broadcast %add3A_283 : i32 to vector<16xi32>
      %add3A_285 = arith.addi %shift_right_logical3A_275, %add3A_284 : vector<16xi32>
      %gather3A_286 = tpu.vector_load_idx %arg6[%add3A_285, %and3A_278] : memref<512x128xf32, #tpu.memory_space<vmem>>[vector<16xi32>, vector<16xi32>], vector<16xf32>,
      %add3A_287 = arith.constant 256 : i32
      %add3A_288 = vector.broadcast %add3A_287 : i32 to vector<16xi32>
      %add3A_289 = arith.addi %shift_right_logical3A_275, %add3A_288 : vector<16xi32>
      %gather3A_290 = tpu.vector_load_idx %arg6[%add3A_289, %and3A_278] : memref<512x128xf32, #tpu.memory_space<vmem>>[vector<16xi32>, vector<16xi32>], vector<16xf32>,
      %add3A_291 = arith.constant 384 : i32
      %add3A_292 = vector.broadcast %add3A_291 : i32 to vector<16xi32>
      %add3A_293 = arith.addi %shift_right_logical3A_275, %add3A_292 : vector<16xi32>
      %gather3A_294 = tpu.vector_load_idx %arg6[%add3A_293, %and3A_278] : memref<512x128xf32, #tpu.memory_space<vmem>>[vector<16xi32>, vector<16xi32>], vector<16xf32>,
      %mul3A_295 = arith.mulf %gather3A_282, %gather3A_282 : vector<16xf32>
      %mul3A_296 = arith.mulf %gather3A_286, %gather3A_286 : vector<16xf32>
      %add3A_297 = arith.addf %mul3A_295, %mul3A_296 : vector<16xf32>
      %mul3A_298 = arith.mulf %gather3A_290, %gather3A_290 : vector<16xf32>
      %add3A_299 = arith.addf %add3A_297, %mul3A_298 : vector<16xf32>
      %mul3A_300 = arith.mulf %gather3A_294, %gather3A_294 : vector<16xf32>
      %add3A_301 = arith.addf %add3A_299, %mul3A_300 : vector<16xf32>
      %bitcast3A_302 = vector.bitcast %add3A_301 : vector<16xf32> to vector<16xi32>
      %shift_right_logical3A_303 = arith.constant 1 : i32
      %shift_right_logical3A_304 = vector.broadcast %shift_right_logical3A_303 : i32 to vector<16xi32>
      %shift_right_logical3A_305 = arith.shrui %bitcast3A_302, %shift_right_logical3A_304 : vector<16xi32>
      %sub3A_306 = arith.constant 1597463007 : i32
      %sub3A_307 = vector.broadcast %sub3A_306 : i32 to vector<16xi32>
      %sub3A_308 = arith.subi %sub3A_307, %shift_right_logical3A_305 : vector<16xi32>
      %bitcast3A_309 = vector.bitcast %sub3A_308 : vector<16xi32> to vector<16xf32>
      %mul3A_310 = arith.constant 5.000000e-01 : f32
      %mul3A_311 = vector.broadcast %mul3A_310 : f32 to vector<16xf32>
      %mul3A_312 = arith.mulf %mul3A_311, %add3A_301 : vector<16xf32>
      %mul3A_313 = arith.mulf %mul3A_312, %bitcast3A_309 : vector<16xf32>
      %mul3A_314 = arith.mulf %mul3A_313, %bitcast3A_309 : vector<16xf32>
      %sub3A_315 = arith.constant 1.500000e+00 : f32
      %sub3A_316 = vector.broadcast %sub3A_315 : f32 to vector<16xf32>
      %sub3A_317 = arith.subf %sub3A_316, %mul3A_314 : vector<16xf32>
      %mul3A_318 = arith.mulf %bitcast3A_309, %sub3A_317 : vector<16xf32>
      %mul3A_319 = arith.constant 5.000000e-01 : f32
      %mul3A_320 = vector.broadcast %mul3A_319 : f32 to vector<16xf32>
      %mul3A_321 = arith.mulf %mul3A_320, %add3A_301 : vector<16xf32>
      %mul3A_322 = arith.mulf %mul3A_321, %mul3A_318 : vector<16xf32>
      %mul3A_323 = arith.mulf %mul3A_322, %mul3A_318 : vector<16xf32>
      %sub3A_324 = arith.constant 1.500000e+00 : f32
      %sub3A_325 = vector.broadcast %sub3A_324 : f32 to vector<16xf32>
      %sub3A_326 = arith.subf %sub3A_325, %mul3A_323 : vector<16xf32>
      %mul3A_327 = arith.mulf %mul3A_318, %sub3A_326 : vector<16xf32>
      %mul3A_328 = arith.constant 5.000000e-01 : f32
      %mul3A_329 = vector.broadcast %mul3A_328 : f32 to vector<16xf32>
      %mul3A_330 = arith.mulf %mul3A_329, %add3A_301 : vector<16xf32>
      %mul3A_331 = arith.mulf %mul3A_330, %mul3A_327 : vector<16xf32>
      %mul3A_332 = arith.mulf %mul3A_331, %mul3A_327 : vector<16xf32>
      %sub3A_333 = arith.constant 1.500000e+00 : f32
      %sub3A_334 = vector.broadcast %sub3A_333 : f32 to vector<16xf32>
      %sub3A_335 = arith.subf %sub3A_334, %mul3A_332 : vector<16xf32>
      %mul3A_336 = arith.mulf %mul3A_327, %sub3A_335 : vector<16xf32>
      %mul3A_337 = arith.mulf %add3A_301, %mul3A_336 : vector<16xf32>
      %add3A_338 = arith.constant 1.000000e-10 : f32
      %add3A_339 = vector.broadcast %add3A_338 : f32 to vector<16xf32>
      %add3A_340 = arith.addf %mul3A_337, %add3A_339 : vector<16xf32>
      %div3A_341 = arith.constant 1.000000e+00 : f32
      %div3A_342 = vector.broadcast %div3A_341 : f32 to vector<16xf32>
      %div3A_343 = arith.divf %div3A_342, %add3A_340 : vector<16xf32>
      %mul3A_344 = arith.mulf %gather3A_282, %div3A_343 : vector<16xf32>
      %mul3A_345 = arith.mulf %gather3A_286, %div3A_343 : vector<16xf32>
      %mul3A_346 = arith.mulf %gather3A_290, %div3A_343 : vector<16xf32>
      %mul3A_347 = arith.mulf %gather3A_294, %div3A_343 : vector<16xf32>
      %broadcast_in_dim3A_348 = arith.constant 0.000000e+00 : f32
      %broadcast_in_dim3A_349 = vector.broadcast %broadcast_in_dim3A_348 : f32 to vector<16xf32>
      %sub3A_350 = arith.subf %mul3A_265, %mul3A_344 : vector<16xf32>
      %abs3A = math.absf %sub3A_350 : vector<16xf32>
      %add3A_351 = arith.addf %broadcast_in_dim3A_349, %abs3A : vector<16xf32>
      %sub3A_352 = arith.subf %mul3A_266, %mul3A_345 : vector<16xf32>
      %abs3A_353 = math.absf %sub3A_352 : vector<16xf32>
      %add3A_354 = arith.addf %add3A_351, %abs3A_353 : vector<16xf32>
      %sub3A_355 = arith.subf %mul3A_267, %mul3A_346 : vector<16xf32>
      %abs3A_356 = math.absf %sub3A_355 : vector<16xf32>
      %add3A_357 = arith.addf %add3A_354, %abs3A_356 : vector<16xf32>
      %sub3A_358 = arith.subf %mul3A_268, %mul3A_347 : vector<16xf32>
      %abs3A_359 = math.absf %sub3A_358 : vector<16xf32>
      %add3A_360 = arith.addf %add3A_357, %abs3A_359 : vector<16xf32>
      %sub3A_361 = arith.constant 1.000000e+00 : f32
      %sub3A_362 = vector.broadcast %sub3A_361 : f32 to vector<16xf32>
      %sub3A_363 = arith.subf %sub3A_362, %add3A_360 : vector<16xf32>
      %max3A = arith.constant 0.000000e+00 : f32
      %max3A_364 = vector.broadcast %max3A : f32 to vector<16xf32>
      %max3A_365 = arith.maximumf %sub3A_363, %max3A_364 : vector<16xf32>
      %mul3A_366 = arith.constant 16 : i32
      %mul3A_367 = arith.muli %scan3A_21, %mul3A_366 : i32
      %add3A_368 = arith.constant 128 : i32
      %add3A_369 = arith.addi %add3A_368, %mul3A_367 : i32
      %swap3A_370 = arith.index_cast %add3A_369 : i32 to index
      %swap3A_371 = tpu.vector_load %arg9[%swap3A_370] {strides = array<i32>} : memref<256xf32, #tpu.memory_space<vmem>>, vector<16xf32>,
      tpu.vector_store %arg9[%swap3A_370], %max3A_365 {strides = array<i32>} : memref<256xf32, #tpu.memory_space<vmem>>, vector<16xf32>,
      %scan3A_372 = arith.constant 0 : i32
      scf.yield %scan3A_372 : i32
    }
    %scan3A_20 = arith.constant 8 : i32
    "tpu.region"() ({
      %run_scoped3A = tpu.sem_alloc : memref<!tpu.dma_semaphore, #tpu.memory_space<semaphore_mem>>
      %dma_start3A_21 = arith.constant 0 : i32
      %dma_start3A_22 = tpu.memref_slice %arg5[%add3A, %dma_start3A_21] : memref<32x256xf32, #tpu.memory_space<hbm>> -> memref<1x256xf32, #tpu.memory_space<hbm>>
      %dma_start3A_23 = tpu.memref_squeeze %dma_start3A_22 : memref<1x256xf32, #tpu.memory_space<hbm>> -> memref<256xf32, #tpu.memory_space<hbm>>
      %dma_start3A_24 = arith.constant 0 : i32
      %dma_start3A_25 = tpu.memref_slice %arg5[%add3A, %dma_start3A_24] : memref<32x256xf32, #tpu.memory_space<hbm>> -> memref<1x256xf32, #tpu.memory_space<hbm>>
      %dma_start3A_26 = tpu.memref_squeeze %dma_start3A_25 : memref<1x256xf32, #tpu.memory_space<hbm>> -> memref<256xf32, #tpu.memory_space<hbm>>
      tpu.enqueue_dma source(%arg9 : memref<256xf32, #tpu.memory_space<vmem>>) target(%dma_start3A_26 : memref<256xf32, #tpu.memory_space<hbm>>) target_semaphore(%run_scoped3A : memref<!tpu.dma_semaphore, #tpu.memory_space<semaphore_mem>>)
      %dma_wait3A_27 = arith.constant 0 : i32
      %dma_wait3A_28 = tpu.memref_slice %arg5[%add3A, %dma_wait3A_27] : memref<32x256xf32, #tpu.memory_space<hbm>> -> memref<1x256xf32, #tpu.memory_space<hbm>>
      %dma_wait3A_29 = tpu.memref_squeeze %dma_wait3A_28 : memref<1x256xf32, #tpu.memory_space<hbm>> -> memref<256xf32, #tpu.memory_space<hbm>>
      %dma_wait3A_30 = arith.constant 0 : i32
      %dma_wait3A_31 = tpu.memref_slice %arg5[%add3A, %dma_wait3A_30] : memref<32x256xf32, #tpu.memory_space<hbm>> -> memref<1x256xf32, #tpu.memory_space<hbm>>
      %dma_wait3A_32 = tpu.memref_squeeze %dma_wait3A_31 : memref<1x256xf32, #tpu.memory_space<hbm>> -> memref<256xf32, #tpu.memory_space<hbm>>
      tpu.wait_dma2 semaphore(%run_scoped3A : memref<!tpu.dma_semaphore, #tpu.memory_space<semaphore_mem>>) src(%arg9 : memref<256xf32, #tpu.memory_space<vmem>>) dst(%dma_wait3A_32 : memref<256xf32, #tpu.memory_space<hbm>>)
      tpu.yield
    }) : () -> ()
    return
  }
}

module attributes {stable_mosaic.version = 14 : i64} {
  func.func @_finalize_body(%arg0: memref<32x256xf32, #tpu.memory_space<vmem>>, %arg1: memref<32x128xi32, #tpu.memory_space<vmem>>, %arg2: memref<32x128xi32, #tpu.memory_space<vmem>>, %arg3: memref<1x1xf32, #tpu.memory_space<vmem>>) attributes {dimension_semantics = [], scalar_prefetch = 0 : i64, scratch_operands = 0 : i64, tpu.core_type = #tpu.core_type<tc>} {
    %get3A = arith.constant 0 : index
    %get3A_0 = arith.constant 0 : index
    %get3A_1 = vector.load %arg1[%get3A, %get3A_0] : memref<32x128xi32, #tpu.memory_space<vmem>>, vector<32x128xi32>
    %get3A_2 = arith.constant dense<0> : vector<32x128xi32>
    %get3A_3 = arith.cmpi ne, %get3A_1, %get3A_2 : vector<32x128xi32>
    %convert_element_type3A = arith.extui %get3A_3 : vector<32x128xi1> to vector<32x128xi32>
    %convert_element_type3A_4 = arith.sitofp %convert_element_type3A : vector<32x128xi32> to vector<32x128xf32>
    %get3A_5 = arith.constant 0 : index
    %get3A_6 = arith.constant 0 : index
    %get3A_7 = vector.load %arg2[%get3A_5, %get3A_6] : memref<32x128xi32, #tpu.memory_space<vmem>>, vector<32x128xi32>
    %get3A_8 = arith.constant dense<0> : vector<32x128xi32>
    %get3A_9 = arith.cmpi ne, %get3A_7, %get3A_8 : vector<32x128xi32>
    %convert_element_type3A_10 = arith.extui %get3A_9 : vector<32x128xi1> to vector<32x128xi32>
    %convert_element_type3A_11 = arith.sitofp %convert_element_type3A_10 : vector<32x128xi32> to vector<32x128xf32>
    %get3A_12 = arith.constant 0 : index
    %get3A_13 = arith.constant 0 : index
    %get3A_14 = vector.load %arg0[%get3A_12, %get3A_13] : memref<32x256xf32, #tpu.memory_space<vmem>>, vector<32x256xf32>
    %slice3A = vector.extract_strided_slice %get3A_14 {offsets = [0, 0], sizes = [32, 128], strides = [1, 1]} : vector<32x256xf32> to vector<32x128xf32>
    %mul3A = arith.mulf %slice3A, %convert_element_type3A_4 : vector<32x128xf32>
    %reduce_sum3A = vector.shape_cast %mul3A : vector<32x128xf32> to vector<1x32x128xf32>
    %reduce_sum3A_15 = arith.constant dense<0.000000e+00> : vector<1xf32>
    %reduce_sum3A_16 = vector.multi_reduction <add>, %reduce_sum3A, %reduce_sum3A_15 [1, 2] : vector<1x32x128xf32> to vector<1xf32>
    %reduce_sum3A_17 = vector.shape_cast %reduce_sum3A_16 : vector<1xf32> to vector<1x1x1xf32>
    %reduce_sum3A_18 = vector.extract %reduce_sum3A_17[0, 0, 0] : f32 from vector<1x1x1xf32>
    %reduce_sum3A_19 = vector.shape_cast %convert_element_type3A_4 : vector<32x128xf32> to vector<1x32x128xf32>
    %reduce_sum3A_20 = arith.constant dense<0.000000e+00> : vector<1xf32>
    %reduce_sum3A_21 = vector.multi_reduction <add>, %reduce_sum3A_19, %reduce_sum3A_20 [1, 2] : vector<1x32x128xf32> to vector<1xf32>
    %reduce_sum3A_22 = vector.shape_cast %reduce_sum3A_21 : vector<1xf32> to vector<1x1x1xf32>
    %reduce_sum3A_23 = vector.extract %reduce_sum3A_22[0, 0, 0] : f32 from vector<1x1x1xf32>
    %slice3A_24 = vector.extract_strided_slice %get3A_14 {offsets = [0, 128], sizes = [32, 128], strides = [1, 1]} : vector<32x256xf32> to vector<32x128xf32>
    %mul3A_25 = arith.mulf %slice3A_24, %convert_element_type3A_11 : vector<32x128xf32>
    %reduce_sum3A_26 = vector.shape_cast %mul3A_25 : vector<32x128xf32> to vector<1x32x128xf32>
    %reduce_sum3A_27 = arith.constant dense<0.000000e+00> : vector<1xf32>
    %reduce_sum3A_28 = vector.multi_reduction <add>, %reduce_sum3A_26, %reduce_sum3A_27 [1, 2] : vector<1x32x128xf32> to vector<1xf32>
    %reduce_sum3A_29 = vector.shape_cast %reduce_sum3A_28 : vector<1xf32> to vector<1x1x1xf32>
    %reduce_sum3A_30 = vector.extract %reduce_sum3A_29[0, 0, 0] : f32 from vector<1x1x1xf32>
    %reduce_sum3A_31 = vector.shape_cast %convert_element_type3A_11 : vector<32x128xf32> to vector<1x32x128xf32>
    %reduce_sum3A_32 = arith.constant dense<0.000000e+00> : vector<1xf32>
    %reduce_sum3A_33 = vector.multi_reduction <add>, %reduce_sum3A_31, %reduce_sum3A_32 [1, 2] : vector<1x32x128xf32> to vector<1xf32>
    %reduce_sum3A_34 = vector.shape_cast %reduce_sum3A_33 : vector<1xf32> to vector<1x1x1xf32>
    %reduce_sum3A_35 = vector.extract %reduce_sum3A_34[0, 0, 0] : f32 from vector<1x1x1xf32>
    %add3A = arith.constant 9.99999974E-5 : f32
    %add3A_36 = arith.addf %reduce_sum3A_23, %add3A : f32
    %div3A = arith.divf %reduce_sum3A_18, %add3A_36 : f32
    %add3A_37 = arith.constant 9.99999974E-5 : f32
    %add3A_38 = arith.addf %reduce_sum3A_35, %add3A_37 : f32
    %div3A_39 = arith.divf %reduce_sum3A_30, %add3A_38 : f32
    %add3A_40 = arith.addf %div3A, %div3A_39 : f32
    %broadcast_in_dim3A = vector.broadcast %add3A_40 : f32 to vector<1x1xf32>
    %swap3A = arith.constant 0 : index
    %swap3A_41 = arith.constant 0 : index
    %swap3A_42 = vector.load %arg3[%swap3A, %swap3A_41] : memref<1x1xf32, #tpu.memory_space<vmem>>, vector<1x1xf32>
    tpu.vector_store %arg3[%swap3A, %swap3A_41], %broadcast_in_dim3A {strides = array<i32>} : memref<1x1xf32, #tpu.memory_space<vmem>>, vector<1x1xf32>,
    return
  }
}

</mosaic_0001>

<sc_bundles>
// kernel: kernel.4.cloned.1.call-start
scs
__scs_entry_jumppad:
0x0: {  	(pc) =	sbr.rel $0x88, $3  }
0x1: {  	(tag) =	ssettag $0x0;
	lr =	simm.s32 $0x1  }
0x2: {  	[smem:$0x3F9C] =	sst lr;
	_ =	strace $0xD0000000  }
0x3: {  	_ = 	snop  }
0x4: {  	_ = 	snop  }
0x5: {  	_ = 	snop  }
0x6: {  	_ = 	snop  }
0x7: {  	_ = 	snop  }
__scs_overlays_trampoline_lowered:
0x8: {  	[smem:$0x3FAB] =	sst s0  }
0x9: {  	[smem:$0x3FAC] =	sst s1  }
0xa: {  	[smem:$0x3FAD] =	sst s2  }
0xb: {  	[smem:$0x3FAE] =	sst s3  }
0xc: {  	[smem:$0x3FAF] =	sst s4  }
0xd: {  	[smem:$0x3FB0] =	sst s5  }
0xe: {  	[smem:$0x3FB1] =	sst s6  }
0xf: {  	[smem:$0x3FB2] =	sst s7  }
0x10: {  	[smem:$0x3FB3] =	sst s8  }
0x11: {  	[smem:$0x3FB4] =	sst s9;
	s0 =	simm.s32 @!p0 $0x0  }
0x12: {  	s1 =	sld [smem:$0x3F9A];
	s0 =	simm.s32 @p0 $0x1  }
0x13: {  	[smem:$0x3FB5] =	sst s0;
	s0 =	simm.s32 @!p1 $0x0  }
0x14: {  	s2 =	sld [smem:$0x3F99];
	s0 =	simm.s32 @p1 $0x1  }
0x15: {  	[smem:$0x3FB6] =	sst s0;
	s0 =	simm.s32 @!p2 $0x0  }
0x16: {  	s3 =	sld [smem:$0x3FDB];
	s0 =	simm.s32 @p2 $0x1  }
0x17: {  	s4 =	simm.s32 $0x1BF5;
	[smem:$0x3FB8] =	sst s0  }
0x18: {  	s0 =	sld [smem:$0x3F9B];
	_ =	swait.ge [sflag:s4], $0x0  }
0x19: {  	s7 =	sld [smem:$0x3F9C]  }
0x1a: {  	s8 =	sadd.s32 $0xFFFFE003, lr  }
0x1b: {  	s9 =	sadd.s32 $0xFFFFFEF7, lr;
	s5 =	simm.s32 $0xFFFFFFFF;
	p2 =	slt.u32 s8, $0xFFFFF086  }
0x1c: {  	p1 =	slt.u32 s9, $0xF7A;
	s5 =	simm.s32 @!p2 $0x0  }
0x1d: {  	s5 =	simm.s32 @p1 $0x1;
	p0 =	seq.s32 s7, s2  }
0x1e: {  	s7 =	smul.u32 @!p0 $0xF7A, s2;
	p2 =	seq.s32 @!p0 s5, $0x0  }
0x1f: {  	s9 =	smul.u32 $0xF7A, s1;
	s8 =	simm.s32 @!p0 $0x1BF5;
	p2 =	por !p2, p0  }
0x20: {  	[sflag:s8] =	ssyncset.s32 @!p0 $0xFFFFF086;
	s6 =	sadd.s32 @!p0 s3, s7;
	s7 =	simm.s32 @!p0 $0x108  }
0x21: {  	s3 =	sadd.s32 s3, s9;
	s6 =	sadd.s32 @!p0 $0x88, s6;
	s7 =	simm.s32 @p2 $0x1082  }
0x22: {  	[simem:s7], [sflag:s8] =	dma.local @!p0 [hbm:s6], $0xF7A  }
0x23: {  	s9 =	sor.u32 $0xD0000000, s2;
	s6 =	simm.s32 $0x108;
	_ =	swait.ge @!p0 [sflag:s8], $0x0  }
0x24: {  	s3 =	sadd.s32 $0x88, s3;
	s6 =	simm.s32 @!p1 $0x1082;
	[sflag:s4] =	ssyncset.s32 $0xFFFFF086  }
0x25: {  	[simem:s6], [sflag:s4] =	dma.local [hbm:s3], $0xF7A  }
0x26: {  	[smem:$0x3F9C] =	sst s1;
	(tag) =	ssettag s2;
	_ =	strace s9  }
0x27: {  	s1 =	sld [smem:$0x3FAC]  }
0x28: {  	s2 =	sld [smem:$0x3FAD]  }
0x29: {  	s4 =	sld [smem:$0x3FAF]  }
0x2a: {  	p0 =	seq.s32 s5, $0x0;
	s5 =	sld [smem:$0x3FB0]  }
0x2b: {  	s6 =	sld [smem:$0x3FB1]  }
0x2c: {  	s7 =	sld [smem:$0x3FB2]  }
0x2d: {  	s3 =	simm.s32 $0x108;
	s8 =	sld [smem:$0x3FB3]  }
0x2e: {  	s3 =	simm.s32 @!p0 $0x1082;
	s9 =	sld [smem:$0x3FB4]  }
0x2f: {  	lr =	sadd.s32 s0, s3;
	s0 =	sld [smem:$0x3FAB]  }
0x30: {  	s3 =	sld [smem:$0x3FAE]  }
0x31: {  	[smem:$0x3FB7] =	sst s10  }
0x32: {  	s10 =	sld [smem:$0x3FB5];
	_ =	sdelay $0x3  }
0x33: {  	p0 =	seq.s32 s10, $0x1;
	s10 =	sld [smem:$0x3FB7];
	_ =	sdelay $0x3  }
0x34: {  	[smem:$0x3FB7] =	sst s10  }
0x35: {  	s10 =	sld [smem:$0x3FB6];
	_ =	sdelay $0x3  }
0x36: {  	p1 =	seq.s32 s10, $0x1;
	s10 =	sld [smem:$0x3FB7];
	_ =	sdelay $0x3  }
0x37: {  	[smem:$0x3FB7] =	sst s10  }
0x38: {  	s10 =	sld [smem:$0x3FB8]  }
0x39: {  	_ = 	snop;
	(pc) =	sbr.ind lr, $3  }
0x3a: {  	_ = 	snop  }
0x3b: {  	_ = 	snop  }
0x3c: {  	p2 =	seq.s32 s10, $0x1;
	s10 =	sld [smem:$0x3FB7]  }
0x3d: {  	_ =	shalt  }
0x3e: {  	_ =	shalt  }
0x3f: {  	_ =	shalt  }
0x40: {  	_ =	shalt  }
0x41: {  	_ =	shalt  }
0x42: {  	_ =	shalt  }
0x43: {  	_ =	shalt  }
0x44: {  	_ =	shalt  }
0x45: {  	_ =	shalt  }
0x46: {  	_ =	shalt  }
0x47: {  	_ =	shalt  }
0x48: {  	_ =	shalt  }
0x49: {  	_ =	shalt  }
0x4a: {  	_ =	shalt  }
0x4b: {  	_ =	shalt  }
0x4c: {  	_ =	shalt  }
0x4d: {  	_ =	shalt  }
0x4e: {  	_ =	shalt  }
0x4f: {  	_ =	shalt  }
0x50: {  	_ =	shalt  }
0x51: {  	_ =	shalt  }
0x52: {  	_ =	shalt  }
0x53: {  	_ =	shalt  }
0x54: {  	_ =	shalt  }
0x55: {  	_ =	shalt  }
0x56: {  	_ =	shalt  }
0x57: {  	_ =	shalt  }
0x58: {  	_ =	shalt  }
0x59: {  	_ =	shalt  }
0x5a: {  	_ =	shalt  }
0x5b: {  	_ =	shalt  }
0x5c: {  	_ =	shalt  }
0x5d: {  	_ =	shalt  }
0x5e: {  	_ =	shalt  }
0x5f: {  	_ =	shalt  }
0x60: {  	_ =	shalt  }
0x61: {  	_ =	shalt  }
0x62: {  	_ =	shalt  }
0x63: {  	_ =	shalt  }
0x64: {  	_ =	shalt  }
0x65: {  	_ =	shalt  }
0x66: {  	_ =	shalt  }
0x67: {  	_ =	shalt  }
0x68: {  	_ =	shalt  }
0x69: {  	_ =	shalt  }
0x6a: {  	_ =	shalt  }
0x6b: {  	_ =	shalt  }
0x6c: {  	_ =	shalt  }
0x6d: {  	_ =	shalt  }
0x6e: {  	_ =	shalt  }
0x6f: {  	_ =	shalt  }
0x70: {  	_ =	shalt  }
0x71: {  	_ =	shalt  }
0x72: {  	_ =	shalt  }
0x73: {  	_ =	shalt  }
0x74: {  	_ =	shalt  }
0x75: {  	_ =	shalt  }
0x76: {  	_ =	shalt  }
0x77: {  	_ =	shalt  }
0x78: {  	_ =	shalt  }
0x79: {  	_ =	shalt  }
0x7a: {  	_ =	shalt  }
0x7b: {  	_ =	shalt  }
0x7c: {  	_ =	shalt  }
0x7d: {  	_ =	shalt  }
0x7e: {  	_ =	shalt  }
0x7f: {  	_ =	shalt  }
0x80: {  	_ =	shalt  }
0x81: {  	_ =	shalt  }
0x82: {  	_ =	shalt  }
0x83: {  	_ =	shalt  }
0x84: {  	_ =	shalt  }
0x85: {  	_ =	shalt  }
0x86: {  	_ =	shalt  }
0x87: {  	_ =	shalt  }
.Lfunc_end0:
.L_simem_size_0:
called_computation_lowered:
.L_overlay_start_0:
0x88: {  	s2 =	sld [smem:$0x3FD9]  }
0x89: {  	s3 =	sld [smem:$0x3FFE];
	_ =	sdelay $0x1  }
0x8a: {  	s1 =	srdreg.scid  }
0x8b: {  	s0 =	sand.u32 $0x1, s1  }
0x8c: {  	s17 =	sshll.u32 s0, $0xA;
	s2 =	sadd.s32 s3, s2  }
0x8d: {  	s2 =	sadd.s32 s2, s17  }
0x8e: {  	[smem:$0x3FC3] =	sst s2  }
0x8f: {  	_ = 	snop  }
0x90: {  	s2 =	sld [smem:$0x3FC9]  }
0x91: {  	s18 =	sld [smem:$0x3FC8]  }
0x92: {  	s4 =	sld [smem:$0x3FC7];
	(tm) =	ssettm $0x1  }
0x93: {  	s5 =	sld [smem:$0x3FFB];
	_ =	sdelay $0x3  }
0x94: {  	_ =	strace s5  }
0x95: {  	s5 =	sld [smem:$0x3FFC];
	_ =	sdelay $0x3  }
0x96: {  	_ =	strace s5  }
0x97: {  	s5 =	sld [smem:$0x3FFD];
	_ =	sdelay $0x3  }
0x98: {  	_ =	strace s5  }
0x99: {  	_ =	strace $0x8FFFFFFF  }
0x9a: {  	s19 =	sld [smem:$0x3FDB];
	_ =	sdelay $0x1  }
0x9b: {  	s6 =	simm.s32 $_scs_section_size  }
0x9c: {  	s7 =	simm.s32 $_size__tile_overlayer_lowered;
	s8 =	simm.s32 $_tile_overlayer_lowered  }
0x9d: {  	s22 =	simm.s32 $0x1BFF;
	s21 =	sshll.u32 s8, $0x1;
	s5 =	sadd.s32 s6, s19  }
0x9e: {  	s9 =	simm.s32 $0x0;
	s20 =	sshll.u32 s7, $0x1;
	s7 =	sadd.s32 s21, s5  }
0x9f: {  	[timem:s9], [sflag:s22] =	dma.local [hbm:s7], s20  }
0xa0: {  	_ =	swait.ge [sflag:s22], s20  }
0xa1: {  	s6 =	ssub.s32 $0x0, s20;
	[sflag:s22] =	ssyncset.done $0x0  }
0xa2: {  	[sflag:s22] =	ssyncadd.s32 s6;
	_ =	sdelay $0x1  }
0xa3: {  	s23 =	simm.s32 $0x1B8B  }
0xa4: {  	_ =	swait.ge [sflag:s23], $0x1  }
0xa5: {  	[sflag:s23] =	ssyncset.done $0x0  }
0xa6: {  	s25 =	simm.s32 $0x1B8E;
	s24 =	sld [smem:$0x3FFE];
	[sflag:s23] =	ssyncadd.s32 $0xFFFFFFFF  }
0xa7: {  	s26 =	simm.s32 $execute0_lowered;
	[smem:$0x3FD2] =	sst s25  }
0xa8: {  	s7 =	sshll.u32 s26, $0x1;
	_ =	strace $0x80000046;
	[dreg:$0x1] =	wrdreg $0xFFFFFFFF  }
0xa9: {  	s28 =	simm.s32 $_size_execute0_lowered;
	s5 =	sadd.s32 s5, s7;
	[dreg:$0x0] =	wrdreg $0x0  }
0xaa: {  	s7 =	sshll.u32 s28, $0x1;
	[dreg:$0x2] =	wrdreg s5  }
0xab: {  	[dreg:$0x3] =	wrdreg s7  }
0xac: {  	[dreg:$0x4] =	wrdreg $0xC0  }
0xad: {  	_ =	task [dreg:s9], $0x5FFFF  }
0xae: {  	[dreg:$0x1] =	wrdreg $0xFFFFFFFF  }
0xaf: {  	[dreg:$0x0] =	wrdreg $0x60  }
0xb0: {  	[dreg:$0x2] =	wrdreg s2  }
0xb1: {  	[dreg:$0x3] =	wrdreg s18  }
0xb2: {  	[dreg:$0x4] =	wrdreg s4  }
0xb3: {  	[dreg:$0x5] =	wrdreg s24  }
0xb4: {  	[dreg:$0x6] =	wrdreg $0x9  }
0xb5: {  	_ =	task.clear_ibuf [dreg:s9], $0x7FFFF;
	_ =	strace $0x90000046  }
0xb6: {  	s29 =	simm.s32 $0x9;
	_ =	strace $0x80000048  }
0xb7: {  	_ =	swait.ge [sflag:s29], $0x1  }
0xb8: {  	[sflag:s29] =	ssyncadd.s32 $0xFFFFFFFF  }
0xb9: {  	_ =	strace $0x90000048  }
0xba: {  	_ =	sfence  }
0xbb: {  	s30 =	sld [smem:$0x0];
	_ =	sdelay $0x2  }
0xbc: {  	s31 =	sshll.u32 s1, $0xD;
	s1 =	sshrl.u32 s1, $0x2  }
0xbd: {  	s3 =	sand.u32 $0x4000, s31;
	s1 =	sadd.s32 s1, s30  }
0xbe: {  	s0 =	sor.u32 s3, s0;
	s1 =	sshll.u32 s1, $0x11  }
0xbf: {  	s0 =	sor.u32 s1, s0  }
0xc0: {  	s0 =	sadd.s32 $0x8F2B, s0  }
0xc1: {  	[sflag:s0] =	ssyncadd.remote.s32 $0x1  }
0xc2: {  	_ =	sfence.sel $0xFFFF  }
0xc3: {  	[dreg:$0x0] =	wrdreg $0xFFFFFFFF;
	(pc) =	sbr.abs _section_cstart, $3  }
0xc4: {  	[dreg:$0x1] =	wrdreg $0xFFFFFFFF  }
0xc5: {  	_ =	task.clear_ibuf [dreg:s9], $0x2FFFF;
	_ =	strace $0x9FFFFFFF  }
0xc6: {  	(tm) =	ssettm $0x7FFFFFFF  }
0xc7: {  	_ =	shalt  }
tec
execute0_lowered:
.L_overlay_start_1:
0x0: {  	(tag) =	ssettag $0x1  }
0x1: {  	s3 =	rddreg [dreg:$0x0]  }
0x2: {  	s4 =	rddreg [dreg:$0x1]  }
0x3: {  	s5 =	rddreg [dreg:$0x2]  }
0x4: {  	s6 =	rddreg [dreg:$0x3]  }
0x5: {  	s0 =	rddreg [dreg:$0x4];
	s2 =	simm.s32 $0x0;
	s1 =	stileid.u32  }
0x6: {  	s7 =	srdreg.scid;
	s11 =	simm.s32 $0x1;
	s12 =	simm.s32 $0x80  }
0x7: {  	s13 =	simm.s32 $0x400;
	s14 =	simm.s32 $0x10200;
	s15 =	simm.s32 $0x0  }
0x8: {  	[smem:$0x7FF] =	sst s2;
	s8 =	sshll.u32 s1, $0x6;
	s7 =	sand.u32 $0x1, s7  }
0x9: {  	s9 =	sshll.u32 s1, $0x1;
	_ =	strace $0x80000047;
	s8 =	sand.u32 $0x300, s8  }
0xa: {  	s10 =	ssub.s32 $0x2, s7;
	s7 =	sor.u32 s7, s9;
	s6 =	sadd.s32 s8, s6  }
0xb: {  	s30 =	sshrl.u32 s10, $0x1;
	s9 =	sshll.u32 s7, $0x4;
	s31 =	sshll.u32 s7, $0xD  }
0xc: {  	s7 =	sshll.u32 s7, $0x5;
	s8 =	ssub.s32 s10, s30;
	s9 =	sand.u32 $0x70, s9  }
0xd: {  	s3 =	sadd.s32 s3, s31;
	s4 =	sadd.s32 s4, s7;
	s5 =	sadd.s32 s5, s7  }
0xe: {  	s10 =	simm.s32 $0x10100;
	s6 =	sadd.s32 s9, s6;
	s7 =	smax.u32 s8, $0x1  }
0xf: {  	s8 =	simm.s32 $0x10000;
	s9 =	simm.s32 $0x2;
	s6 =	sadd.s32 $0xA00, s6  }
.LBB2_1:
0x10: {  	[tilespmem:s2], [sflag:$0x1] =	stream.linear.gather [hbm4b:s3+s2], $0x10000, $0x38;
	[tilespmem:$0x10300] =	vst v63  }
0x11: {  	_ = 	snop  }
0x12: {  	[tilespmem:s8], [sflag:$0x2] =	stream.linear.gather [hbm4b:s4+s2], $0x100, $0x38;
	[tilespmem:$0x10300] =	vst v63  }
0x13: {  	_ =	swait.ge [sflag:s9], $0x100  }
0x14: {  	[sflag:s9] =	ssyncset.done $0x0  }
0x15: {  	[sflag:s9] =	ssyncadd.s32 $0xFFFFFF00  }
0x16: {  	[tilespmem:s10], [sflag:$0x2] =	stream.linear.gather [hbm4b:s5+s2], $0x100, $0x38;
	[tilespmem:$0x10300] =	vst v63  }
0x17: {  	_ =	swait.ge [sflag:s9], $0x100  }
0x18: {  	[sflag:s9] =	ssyncset.done $0x0  }
0x19: {  	[sflag:s9] =	ssyncadd.s32 $0xFFFFFF00  }
0x1a: {  	_ =	swait.ge [sflag:s11], $0x10000  }
0x1b: {  	[sflag:s11] =	ssyncset.done $0x0  }
0x1c: {  	s16 =	simm.s32 $0x0;
	[sflag:s11] =	ssyncadd.s32 $0xFFFF0000  }
0x1d: {  	v0 =	vld [tilespmem:s16+$0x10000]  }
0x1e: {  	v1 =	vld [tilespmem:s16+$0x10080];
	_ =	sdelay $0x3  }
0x1f: {  	v2 =	vadd.s32 $0x4000, v0  }
0x20: {  	v3 =	vadd.s32 $0x4000, v1  }
0x21: {  	v4 =	vadd.s32 $0x8000, v0  }
0x22: {  	v5 =	vadd.s32 $0x8000, v1;
	v6 =	vadd.s32 $0xC000, v0;
	v0 =	vld.idx.msk [tilespmem:v0+s2+$0x0], $0xffff  }
0x23: {  	v7 =	vadd.s32 $0xC000, v1;
	v1 =	vld.idx.msk [tilespmem:v1+s2+$0x0], $0xffff  }
0x24: {  	v2 =	vld.idx.msk [tilespmem:v2+s2+$0x0], $0xffff  }
0x25: {  	v3 =	vld.idx.msk [tilespmem:v3+s2+$0x0], $0xffff  }
0x26: {  	v4 =	vld.idx.msk [tilespmem:v4+s2+$0x0], $0xffff  }
0x27: {  	v5 =	vld.idx.msk [tilespmem:v5+s2+$0x0], $0xffff  }
0x28: {  	v6 =	vld.idx.msk [tilespmem:v6+s2+$0x0], $0xffff  }
0x29: {  	v7 =	vld.idx.msk [tilespmem:v7+s2+$0x0], $0xffff;
	v8 =	vmul.f32 v0, v0;
	v9 =	vmul.f32 v2, v2  }
0x2a: {  	v10 =	vmul.f32 v1, v1;
	v11 =	vmul.f32 v3, v3  }
0x2b: {  	v12 =	vmul.f32 v4, v4;
	v8 =	vadd.f32 v9, v8  }
0x2c: {  	v9 =	vadd.f32 v11, v10;
	v10 =	vmul.f32 v5, v5  }
0x2d: {  	v11 =	vmul.f32 v6, v6;
	v8 =	vadd.f32 v12, v8  }
0x2e: {  	v59 =	vmul.f32 v7, v7;
	v9 =	vadd.f32 v10, v9  }
0x2f: {  	v8 =	vadd.f32 v11, v8  }
0x30: {  	v9 =	vadd.f32 v59, v9  }
0x31: {  	v10 =	vshrl.u32 v8, $0x1;
	v11 =	vmul.f32 $5.000000000e-01, v8  }
0x32: {  	v12 =	vshrl.u32 v9, $0x1;
	v13 =	vmul.f32 $5.000000000e-01, v9;
	v10 =	vsub.s32 $0x5F3759DF, v10  }
0x33: {  	v12 =	vsub.s32 $0x5F3759DF, v12;
	v14 =	vmul.f32 v10, v11  }
0x34: {  	v15 =	vmul.f32 v12, v13  }
0x35: {  	v14 =	vmul.f32 v10, v14  }
0x36: {  	v15 =	vmul.f32 v12, v15  }
0x37: {  	v14 =	vsub.f32 $1.500000000e+00, v14  }
0x38: {  	v15 =	vsub.f32 $1.500000000e+00, v15  }
0x39: {  	v10 =	vmul.f32 v10, v14  }
0x3a: {  	v12 =	vmul.f32 v12, v15  }
0x3b: {  	v14 =	vmul.f32 v10, v11  }
0x3c: {  	v15 =	vmul.f32 v12, v13  }
0x3d: {  	v14 =	vmul.f32 v14, v10  }
0x3e: {  	v15 =	vmul.f32 v15, v12  }
0x3f: {  	v14 =	vsub.f32 $1.500000000e+00, v14  }
0x40: {  	v15 =	vsub.f32 $1.500000000e+00, v15  }
0x41: {  	v10 =	vmul.f32 v14, v10  }
0x42: {  	v12 =	vmul.f32 v15, v12  }
0x43: {  	v11 =	vmul.f32 v10, v11  }
0x44: {  	v13 =	vmul.f32 v12, v13  }
0x45: {  	v11 =	vmul.f32 v11, v10  }
0x46: {  	v13 =	vmul.f32 v13, v12  }
0x47: {  	v11 =	vsub.f32 $1.500000000e+00, v11  }
0x48: {  	v13 =	vsub.f32 $1.500000000e+00, v13  }
0x49: {  	v10 =	vmul.f32 v11, v10  }
0x4a: {  	v11 =	vmul.f32 v13, v12  }
0x4b: {  	v8 =	vmul.f32 v10, v8  }
0x4c: {  	v9 =	vmul.f32 v11, v9  }
0x4d: {  	v8 =	vadd.f32 $1.000000010e-10, v8  }
0x4e: {  	v9 =	vadd.f32 $1.000000010e-10, v9  }
0x4f: {  	(erf) = vrcp.f32 v8  }
0x50: {  	(erf) = vrcp.f32 v9;
	_ =	sdelay $0x7  }
0x51: {  	v8 =	vpop (erf)  }
0x52: {  	v0 =	vmul.f32 v8, v0;
	v2 =	vmul.f32 v8, v2;
	v9 =	vpop (erf)  }
0x53: {  	v1 =	vmul.f32 v9, v1;
	v3 =	vmul.f32 v9, v3  }
0x54: {  	v4 =	vmul.f32 v8, v4  }
0x55: {  	v5 =	vmul.f32 v9, v5;
	v0 =	vsub.f32 v0, v1;
	v1 =	vsub.f32 v2, v3  }
0x56: {  	v2 =	vmul.f32 v9, v7;
	v3 =	vmul.f32 v8, v6  }
0x57: {  	v4 =	vsub.f32 v4, v5;
	v5 =	vld [tilespmem:s16+$0x10100];
	v0 =	vmul.f32 v0, v0;
	v1 =	vmul.f32 v1, v1;
	_ =	sdelay $0x1  }
0x58: {  	v2 =	vsub.f32 v3, v2;
	v0 =	vadd.f32 v1, v0;
	v1 =	vmul.f32 v4, v4;
	v4 =	vld [tilespmem:s16+$0x10180];
	_ =	sdelay $0x1  }
0x59: {  	v0 =	vadd.f32 v0, v1;
	v1 =	vmul.f32 v2, v2  }
0x5a: {  	v2 =	vadd.s32 $0x4000, v5  }
0x5b: {  	v0 =	vadd.f32 v0, v1  }
0x5c: {  	v1 =	vadd.s32 $0x4000, v4  }
0x5d: {  	v6 =	vadd.s32 $0x8000, v5;
	[tilespmem:s16+$0x10200] =	vst v0  }
0x5e: {  	v7 =	vadd.s32 $0x8000, v4;
	v0 =	vld.idx.msk [tilespmem:v5+s2+$0x0], $0xffff  }
0x5f: {  	v8 =	vadd.s32 $0xC000, v5;
	v2 =	vld.idx.msk [tilespmem:v2+s2+$0x0], $0xffff  }
0x60: {  	v9 =	vadd.s32 $0xC000, v4;
	v3 =	vld.idx.msk [tilespmem:v4+s2+$0x0], $0xffff  }
0x61: {  	v4 =	vld.idx.msk [tilespmem:v1+s2+$0x0], $0xffff  }
0x62: {  	v5 =	vld.idx.msk [tilespmem:v6+s2+$0x0], $0xffff  }
0x63: {  	v7 =	vld.idx.msk [tilespmem:v7+s2+$0x0], $0xffff  }
0x64: {  	v1 =	vld.idx.msk [tilespmem:v8+s2+$0x0], $0xffff  }
0x65: {  	v6 =	vld.idx.msk [tilespmem:v9+s2+$0x0], $0xffff;
	v8 =	vmul.f32 v0, v0;
	v10 =	vmul.f32 v2, v2  }
0x66: {  	v9 =	vmul.f32 v3, v3;
	v11 =	vmul.f32 v4, v4  }
0x67: {  	v8 =	vadd.f32 v10, v8;
	v10 =	vmul.f32 v5, v5  }
0x68: {  	v9 =	vadd.f32 v11, v9;
	v11 =	vmul.f32 v7, v7  }
0x69: {  	v8 =	vadd.f32 v10, v8;
	v10 =	vmul.f32 v1, v1  }
0x6a: {  	v9 =	vadd.f32 v11, v9;
	v11 =	vmul.f32 v6, v6  }
0x6b: {  	v8 =	vadd.f32 v10, v8  }
0x6c: {  	v9 =	vadd.f32 v11, v9  }
0x6d: {  	v10 =	vshrl.u32 v8, $0x1;
	v11 =	vmul.f32 $5.000000000e-01, v8  }
0x6e: {  	v10 =	vsub.s32 $0x5F3759DF, v10;
	v60 =	vshrl.u32 v9, $0x1;
	v61 =	vmul.f32 $5.000000000e-01, v9  }
0x6f: {  	v62 =	vmul.f32 v10, v11;
	v12 =	vsub.s32 $0x5F3759DF, v60  }
0x70: {  	v63 =	vmul.f32 v12, v61  }
0x71: {  	v14 =	vmul.f32 v10, v62  }
0x72: {  	v15 =	vmul.f32 v12, v63  }
0x73: {  	v14 =	vsub.f32 $1.500000000e+00, v14  }
0x74: {  	v15 =	vsub.f32 $1.500000000e+00, v15  }
0x75: {  	v10 =	vmul.f32 v10, v14  }
0x76: {  	v12 =	vmul.f32 v12, v15  }
0x77: {  	v14 =	vmul.f32 v10, v11  }
0x78: {  	v15 =	vmul.f32 v12, v61  }
0x79: {  	v14 =	vmul.f32 v14, v10  }
0x7a: {  	v15 =	vmul.f32 v15, v12  }
0x7b: {  	v14 =	vsub.f32 $1.500000000e+00, v14  }
0x7c: {  	v15 =	vsub.f32 $1.500000000e+00, v15  }
0x7d: {  	v10 =	vmul.f32 v14, v10  }
0x7e: {  	v12 =	vmul.f32 v15, v12  }
0x7f: {  	v11 =	vmul.f32 v10, v11  }
0x80: {  	v13 =	vmul.f32 v12, v61  }
0x81: {  	v11 =	vmul.f32 v11, v10  }
0x82: {  	v13 =	vmul.f32 v13, v12  }
0x83: {  	v11 =	vsub.f32 $1.500000000e+00, v11  }
0x84: {  	v13 =	vsub.f32 $1.500000000e+00, v13  }
0x85: {  	v10 =	vmul.f32 v11, v10  }
0x86: {  	v11 =	vmul.f32 v13, v12  }
0x87: {  	v8 =	vmul.f32 v10, v8  }
0x88: {  	v9 =	vmul.f32 v11, v9  }
0x89: {  	v8 =	vadd.f32 $1.000000010e-10, v8  }
0x8a: {  	v9 =	vadd.f32 $1.000000010e-10, v9  }
0x8b: {  	(erf) = vrcp.f32 v8  }
0x8c: {  	(erf) = vrcp.f32 v9  }
0x8d: {  	s19 =	simm.s32 $0x10  }
0x8e: {  	s17 =	simm.s32 $0x80;
	v8 =	vld [tilespmem:s19+$0x10000]  }
.LBB2_2:
0x8f: {  	p0 =	sne.s32 s17, $0x1C0;
	v9 =	vld [tilespmem:s19+$0x10080];
	s18 =	smov.u32 s17;
	s17 =	sadd.s32 $0x40, s17  }
0x90: {  	_ =	sdelay $0x2  }
0x91: {  	v10 =	vadd.s32 $0x4000, v8;
	v11 =	vadd.s32 $0x8000, v8  }
0x92: {  	v12 =	vadd.s32 $0x4000, v9;
	v13 =	vadd.s32 $0x8000, v9;
	v14 =	vpop (erf)  }
0x93: {  	v0 =	vmul.f32 v14, v0;
	v2 =	vmul.f32 v14, v2;
	v15 =	vpop (erf)  }
0x94: {  	v3 =	vmul.f32 v15, v3;
	v4 =	vmul.f32 v15, v4  }
0x95: {  	v5 =	vmul.f32 v14, v5;
	v7 =	vmul.f32 v15, v7  }
0x96: {  	v16 =	vadd.s32 $0xC000, v8;
	v0 =	vsub.f32 v0, v3;
	v2 =	vsub.f32 v2, v4  }
0x97: {  	v1 =	vmul.f32 v14, v1;
	v3 =	vmul.f32 v15, v6;
	v4 =	vsub.f32 v5, v7  }
0x98: {  	v0 =	vand.u32 $0x7FFFFFFF, v0;
	v2 =	vand.u32 $0x7FFFFFFF, v2  }
0x99: {  	v1 =	vsub.f32 v1, v3;
	v0 =	vadd.f32 v2, v0  }
0x9a: {  	v2 =	vand.u32 $0x7FFFFFFF, v4  }
0x9b: {  	v0 =	vadd.f32 v0, v2  }
0x9c: {  	v1 =	vand.u32 $0x7FFFFFFF, v1  }
0x9d: {  	v0 =	vadd.f32 v0, v1;
	_ =	sdelay $0x1  }
0x9e: {  	v1 =	vadd.s32 $0xC000, v9;
	v0 =	vsub.f32 $1.000000000e+00, v0;
	_ =	sdelay $0x1  }
0x9f: {  	v0 =	vmax.f32 v0, $0.0e+00  }
0xa0: {  	[tilespmem:s16+$0x10280] =	vst v0;
	s16 =	smov.u32 s19  }
0xa1: {  	v0 =	vld.idx.msk [tilespmem:v10+s2+$0x0], $0xffff  }
0xa2: {  	v1 =	vld.idx.msk [tilespmem:v1+s2+$0x0], $0xffff  }
0xa3: {  	v2 =	vld.idx.msk [tilespmem:v11+s2+$0x0], $0xffff  }
0xa4: {  	v3 =	vld.idx.msk [tilespmem:v12+s2+$0x0], $0xffff  }
0xa5: {  	v4 =	vld.idx.msk [tilespmem:v8+s2+$0x0], $0xffff  }
0xa6: {  	v5 =	vld.idx.msk [tilespmem:v9+s2+$0x0], $0xffff;
	_ =	sdelay $0x1  }
0xa7: {  	v6 =	vld.idx.msk [tilespmem:v13+s2+$0x0], $0xffff  }
0xa8: {  	v7 =	vld.idx.msk [tilespmem:v16+s2+$0x0], $0xffff  }
0xa9: {  	v9 =	vmul.f32 v1, v1;
	v8 =	vmul.f32 v2, v2  }
0xaa: {  	v11 =	vmul.f32 v0, v0;
	v10 =	vmul.f32 v4, v4  }
0xab: {  	v13 =	vmul.f32 v3, v3;
	v12 =	vmul.f32 v5, v5  }
0xac: {  	v10 =	vadd.f32 v11, v10  }
0xad: {  	v11 =	vadd.f32 v13, v12;
	v12 =	vmul.f32 v6, v6  }
0xae: {  	v8 =	vadd.f32 v8, v10;
	v10 =	vmul.f32 v7, v7  }
0xaf: {  	v11 =	vadd.f32 v12, v11  }
0xb0: {  	v8 =	vadd.f32 v10, v8  }
0xb1: {  	v9 =	vadd.f32 v9, v11  }
0xb2: {  	v10 =	vshrl.u32 v8, $0x1;
	v11 =	vmul.f32 $5.000000000e-01, v8  }
0xb3: {  	v10 =	vsub.s32 $0x5F3759DF, v10;
	v12 =	vshrl.u32 v9, $0x1;
	v13 =	vmul.f32 $5.000000000e-01, v9  }
0xb4: {  	v14 =	vmul.f32 v10, v11;
	v12 =	vsub.s32 $0x5F3759DF, v12  }
0xb5: {  	v15 =	vmul.f32 v12, v13  }
0xb6: {  	v14 =	vmul.f32 v10, v14  }
0xb7: {  	v15 =	vmul.f32 v12, v15  }
0xb8: {  	v14 =	vsub.f32 $1.500000000e+00, v14  }
0xb9: {  	v15 =	vsub.f32 $1.500000000e+00, v15  }
0xba: {  	v10 =	vmul.f32 v10, v14  }
0xbb: {  	v12 =	vmul.f32 v12, v15  }
0xbc: {  	v14 =	vmul.f32 v10, v11  }
0xbd: {  	v15 =	vmul.f32 v12, v13  }
0xbe: {  	v14 =	vmul.f32 v14, v10  }
0xbf: {  	v15 =	vmul.f32 v15, v12  }
0xc0: {  	v14 =	vsub.f32 $1.500000000e+00, v14  }
0xc1: {  	v15 =	vsub.f32 $1.500000000e+00, v15  }
0xc2: {  	v10 =	vmul.f32 v14, v10  }
0xc3: {  	v12 =	vmul.f32 v15, v12  }
0xc4: {  	v11 =	vmul.f32 v10, v11  }
0xc5: {  	v13 =	vmul.f32 v12, v13  }
0xc6: {  	v11 =	vmul.f32 v11, v10  }
0xc7: {  	v13 =	vmul.f32 v13, v12  }
0xc8: {  	v11 =	vsub.f32 $1.500000000e+00, v11  }
0xc9: {  	v13 =	vsub.f32 $1.500000000e+00, v13  }
0xca: {  	v10 =	vmul.f32 v11, v10  }
0xcb: {  	v11 =	vmul.f32 v13, v12  }
0xcc: {  	v8 =	vmul.f32 v10, v8  }
0xcd: {  	v9 =	vmul.f32 v11, v9  }
0xce: {  	v8 =	vadd.f32 $1.000000010e-10, v8  }
0xcf: {  	v9 =	vadd.f32 $1.000000010e-10, v9  }
0xd0: {  	(erf) = vrcp.f32 v8  }
0xd1: {  	(erf) = vrcp.f32 v9;
	_ =	sdelay $0x7  }
0xd2: {  	v8 =	vpop (erf)  }
0xd3: {  	v4 =	vmul.f32 v8, v4;
	v0 =	vmul.f32 v8, v0;
	v9 =	vpop (erf)  }
0xd4: {  	v5 =	vmul.f32 v9, v5;
	v3 =	vmul.f32 v9, v3  }
0xd5: {  	v2 =	vmul.f32 v8, v2;
	v6 =	vmul.f32 v9, v6  }
0xd6: {  	v1 =	vmul.f32 v9, v1;
	v4 =	vsub.f32 v4, v5;
	v0 =	vsub.f32 v0, v3  }
0xd7: {  	v3 =	vmul.f32 v8, v7  }
0xd8: {  	v2 =	vsub.f32 v2, v6;
	v4 =	vmul.f32 v4, v4;
	v0 =	vmul.f32 v0, v0;
	v5 =	vld [tilespmem:s16+$0x10100]  }
0xd9: {  	v1 =	vsub.f32 v3, v1  }
0xda: {  	v2 =	vmul.f32 v2, v2;
	v0 =	vadd.f32 v0, v4;
	v4 =	vld [tilespmem:s16+$0x10180];
	_ =	sdelay $0x1  }
0xdb: {  	v1 =	vmul.f32 v1, v1;
	v0 =	vadd.f32 v0, v2  }
0xdc: {  	v2 =	vadd.s32 $0x4000, v5  }
0xdd: {  	v0 =	vadd.f32 v0, v1  }
0xde: {  	v1 =	vadd.s32 $0x4000, v4  }
0xdf: {  	v6 =	vadd.s32 $0x8000, v5;
	[tilespmem:s16+$0x10200] =	vst v0  }
0xe0: {  	v7 =	vadd.s32 $0x8000, v4;
	v0 =	vld.idx.msk [tilespmem:v5+s2+$0x0], $0xffff  }
0xe1: {  	v8 =	vadd.s32 $0xC000, v5;
	v2 =	vld.idx.msk [tilespmem:v2+s2+$0x0], $0xffff  }
0xe2: {  	v9 =	vadd.s32 $0xC000, v4;
	v3 =	vld.idx.msk [tilespmem:v4+s2+$0x0], $0xffff  }
0xe3: {  	v4 =	vld.idx.msk [tilespmem:v1+s2+$0x0], $0xffff  }
0xe4: {  	v5 =	vld.idx.msk [tilespmem:v6+s2+$0x0], $0xffff  }
0xe5: {  	v7 =	vld.idx.msk [tilespmem:v7+s2+$0x0], $0xffff  }
0xe6: {  	v1 =	vld.idx.msk [tilespmem:v8+s2+$0x0], $0xffff;
	v8 =	vmul.f32 v0, v0  }
0xe7: {  	v10 =	vmul.f32 v2, v2;
	v6 =	vld.idx.msk [tilespmem:v9+s2+$0x0], $0xffff  }
0xe8: {  	v9 =	vmul.f32 v3, v3  }
0xe9: {  	v8 =	vadd.f32 v10, v8;
	v10 =	vmul.f32 v4, v4  }
0xea: {  	v11 =	vmul.f32 v5, v5  }
0xeb: {  	v9 =	vadd.f32 v10, v9;
	v10 =	vmul.f32 v7, v7  }
0xec: {  	v8 =	vadd.f32 v11, v8;
	v11 =	vmul.f32 v1, v1  }
0xed: {  	v9 =	vadd.f32 v10, v9;
	v10 =	vmul.f32 v6, v6  }
0xee: {  	v8 =	vadd.f32 v11, v8  }
0xef: {  	v9 =	vadd.f32 v10, v9  }
0xf0: {  	v10 =	vshrl.u32 v8, $0x1;
	v11 =	vmul.f32 $5.000000000e-01, v8  }
0xf1: {  	v10 =	vsub.s32 $0x5F3759DF, v10;
	v12 =	vshrl.u32 v9, $0x1;
	v13 =	vmul.f32 $5.000000000e-01, v9  }
0xf2: {  	v14 =	vmul.f32 v10, v11;
	v12 =	vsub.s32 $0x5F3759DF, v12  }
0xf3: {  	v15 =	vmul.f32 v12, v13  }
0xf4: {  	v14 =	vmul.f32 v10, v14  }
0xf5: {  	v15 =	vmul.f32 v12, v15  }
0xf6: {  	v14 =	vsub.f32 $1.500000000e+00, v14  }
0xf7: {  	v15 =	vsub.f32 $1.500000000e+00, v15  }
0xf8: {  	v10 =	vmul.f32 v10, v14  }
0xf9: {  	v12 =	vmul.f32 v12, v15  }
0xfa: {  	v14 =	vmul.f32 v10, v11  }
0xfb: {  	v15 =	vmul.f32 v12, v13  }
0xfc: {  	v14 =	vmul.f32 v14, v10  }
0xfd: {  	v15 =	vmul.f32 v15, v12  }
0xfe: {  	v14 =	vsub.f32 $1.500000000e+00, v14  }
0xff: {  	v15 =	vsub.f32 $1.500000000e+00, v15  }
0x100: {  	v10 =	vmul.f32 v14, v10  }
0x101: {  	v12 =	vmul.f32 v15, v12  }
0x102: {  	v11 =	vmul.f32 v10, v11  }
0x103: {  	v13 =	vmul.f32 v12, v13  }
0x104: {  	v11 =	vmul.f32 v11, v10  }
0x105: {  	v13 =	vmul.f32 v13, v12  }
0x106: {  	v11 =	vsub.f32 $1.500000000e+00, v11  }
0x107: {  	v13 =	vsub.f32 $1.500000000e+00, v13  }
0x108: {  	v10 =	vmul.f32 v11, v10  }
0x109: {  	v11 =	vmul.f32 v13, v12  }
0x10a: {  	v8 =	vmul.f32 v10, v8  }
0x10b: {  	v9 =	vmul.f32 v11, v9  }
0x10c: {  	v8 =	vadd.f32 $1.000000010e-10, v8  }
.Ltmp0:
0x10d: {  	v9 =	vadd.f32 $1.000000010e-10, v9;
	(pc) =	sbr.rel @p0 .LBB2_2-.Ltmp0, $4  }
0x10e: {  	(erf) = vrcp.f32 v8  }
0x10f: {  	(erf) = vrcp.f32 v9  }
0x110: {  	s19 =	sshra.s32 s18, $0x2  }
0x111: {  	v8 =	vld [tilespmem:s19+$0x10000]  }
0x112: {  	_ =	sdelay $0x4  }
0x113: {  	v9 =	vpop (erf)  }
0x114: {  	v0 =	vmul.f32 v9, v0;
	v2 =	vmul.f32 v9, v2;
	v10 =	vpop (erf)  }
0x115: {  	v3 =	vmul.f32 v10, v3;
	v4 =	vmul.f32 v10, v4  }
0x116: {  	v5 =	vmul.f32 v9, v5  }
0x117: {  	v7 =	vmul.f32 v10, v7;
	v0 =	vsub.f32 v0, v3;
	v2 =	vsub.f32 v2, v4  }
0x118: {  	v1 =	vmul.f32 v9, v1;
	v16 =	vmul.f32 v10, v6  }
0x119: {  	v17 =	vsub.f32 v5, v7;
	v0 =	vand.u32 $0x7FFFFFFF, v0;
	v2 =	vand.u32 $0x7FFFFFFF, v2  }
0x11a: {  	v0 =	vadd.f32 v2, v0  }
0x11b: {  	v18 =	vld [tilespmem:s19+$0x10080];
	v1 =	vsub.f32 v1, v16;
	v19 =	vand.u32 $0x7FFFFFFF, v17  }
0x11c: {  	v0 =	vadd.f32 v0, v19  }
0x11d: {  	v1 =	vand.u32 $0x7FFFFFFF, v1  }
0x11e: {  	v0 =	vadd.f32 v0, v1  }
0x11f: {  	v20 =	vadd.s32 $0x4000, v8  }
0x120: {  	v21 =	vadd.s32 $0x4000, v18;
	v0 =	vsub.f32 $1.000000000e+00, v0;
	_ =	sdelay $0x1  }
0x121: {  	v0 =	vmax.f32 v0, $0.0e+00  }
0x122: {  	v22 =	vadd.s32 $0x8000, v8;
	[tilespmem:s16+$0x10280] =	vst v0  }
0x123: {  	v23 =	vadd.s32 $0x8000, v18;
	v1 =	vld.idx.msk [tilespmem:v20+s2+$0x0], $0xffff  }
0x124: {  	v24 =	vadd.s32 $0xC000, v8;
	v3 =	vld.idx.msk [tilespmem:v21+s2+$0x0], $0xffff  }
0x125: {  	v25 =	vadd.s32 $0xC000, v18;
	v26 =	vld.idx.msk [tilespmem:v8+s2+$0x0], $0xffff  }
0x126: {  	v2 =	vld.idx.msk [tilespmem:v18+s2+$0x0], $0xffff  }
0x127: {  	v4 =	vld.idx.msk [tilespmem:v22+s2+$0x0], $0xffff  }
0x128: {  	v0 =	vld.idx.msk [tilespmem:v23+s2+$0x0], $0xffff  }
0x129: {  	v5 =	vld.idx.msk [tilespmem:v24+s2+$0x0], $0xffff  }
0x12a: {  	v6 =	vld.idx.msk [tilespmem:v25+s2+$0x0], $0xffff;
	v8 =	vmul.f32 v26, v26;
	v27 =	vmul.f32 v1, v1  }
0x12b: {  	v28 =	vmul.f32 v2, v2;
	v11 =	vmul.f32 v3, v3  }
0x12c: {  	v12 =	vmul.f32 v4, v4;
	v8 =	vadd.f32 v27, v8  }
0x12d: {  	v30 =	vmul.f32 v0, v0;
	v29 =	vadd.f32 v11, v28  }
0x12e: {  	v31 =	vmul.f32 v5, v5;
	v8 =	vadd.f32 v12, v8  }
0x12f: {  	v32 =	vmul.f32 v6, v6;
	v9 =	vadd.f32 v30, v29  }
0x130: {  	v8 =	vadd.f32 v31, v8  }
0x131: {  	v9 =	vadd.f32 v32, v9  }
0x132: {  	v33 =	vshrl.u32 v8, $0x1;
	v11 =	vmul.f32 $5.000000000e-01, v8  }
0x133: {  	v12 =	vshrl.u32 v9, $0x1;
	v13 =	vmul.f32 $5.000000000e-01, v9;
	v10 =	vsub.s32 $0x5F3759DF, v33  }
0x134: {  	v12 =	vsub.s32 $0x5F3759DF, v12;
	v14 =	vmul.f32 v10, v11  }
0x135: {  	v15 =	vmul.f32 v12, v13  }
0x136: {  	v14 =	vmul.f32 v10, v14  }
0x137: {  	v15 =	vmul.f32 v12, v15  }
0x138: {  	v14 =	vsub.f32 $1.500000000e+00, v14  }
0x139: {  	v15 =	vsub.f32 $1.500000000e+00, v15  }
0x13a: {  	v10 =	vmul.f32 v10, v14  }
0x13b: {  	v12 =	vmul.f32 v12, v15  }
0x13c: {  	v14 =	vmul.f32 v10, v11  }
0x13d: {  	v15 =	vmul.f32 v12, v13  }
0x13e: {  	v14 =	vmul.f32 v14, v10  }
0x13f: {  	v15 =	vmul.f32 v15, v12  }
0x140: {  	v14 =	vsub.f32 $1.500000000e+00, v14  }
0x141: {  	v15 =	vsub.f32 $1.500000000e+00, v15  }
0x142: {  	v10 =	vmul.f32 v14, v10  }
0x143: {  	v12 =	vmul.f32 v15, v12  }
0x144: {  	v11 =	vmul.f32 v10, v11  }
0x145: {  	v13 =	vmul.f32 v12, v13  }
0x146: {  	v11 =	vmul.f32 v11, v10  }
0x147: {  	v13 =	vmul.f32 v13, v12  }
0x148: {  	v11 =	vsub.f32 $1.500000000e+00, v11  }
0x149: {  	v13 =	vsub.f32 $1.500000000e+00, v13  }
0x14a: {  	v10 =	vmul.f32 v11, v10  }
0x14b: {  	v34 =	vmul.f32 v13, v12  }
0x14c: {  	v8 =	vmul.f32 v10, v8  }
0x14d: {  	v9 =	vmul.f32 v34, v9  }
0x14e: {  	v8 =	vadd.f32 $1.000000010e-10, v8  }
0x14f: {  	v9 =	vadd.f32 $1.000000010e-10, v9  }
0x150: {  	(erf) = vrcp.f32 v8  }
0x151: {  	(erf) = vrcp.f32 v9;
	_ =	sdelay $0x7  }
0x152: {  	v8 =	vpop (erf)  }
0x153: {  	v7 =	vmul.f32 v8, v26;
	v1 =	vmul.f32 v8, v1;
	v9 =	vpop (erf)  }
0x154: {  	v2 =	vmul.f32 v9, v2;
	v3 =	vmul.f32 v9, v3  }
0x155: {  	v4 =	vmul.f32 v8, v4  }
0x156: {  	v0 =	vmul.f32 v9, v0;
	v2 =	vsub.f32 v7, v2;
	v1 =	vsub.f32 v1, v3  }
0x157: {  	v5 =	vmul.f32 v8, v5;
	v35 =	vmul.f32 v9, v6  }
0x158: {  	v36 =	vld [tilespmem:s19+$0x10100];
	v0 =	vsub.f32 v4, v0;
	v2 =	vmul.f32 v2, v2;
	v1 =	vmul.f32 v1, v1;
	_ =	sdelay $0x1  }
0x159: {  	v37 =	vld [tilespmem:s19+$0x10180];
	v3 =	vsub.f32 v5, v35;
	v0 =	vmul.f32 v0, v0;
	v1 =	vadd.f32 v1, v2;
	_ =	sdelay $0x1  }
0x15a: {  	v38 =	vmul.f32 v3, v3;
	v0 =	vadd.f32 v1, v0  }
0x15b: {  	v39 =	vadd.s32 $0x4000, v36  }
0x15c: {  	v0 =	vadd.f32 v0, v38  }
0x15d: {  	v40 =	vadd.s32 $0x4000, v37  }
0x15e: {  	v41 =	vadd.s32 $0x8000, v36;
	[tilespmem:s19+$0x10200] =	vst v0  }
0x15f: {  	v43 =	vadd.s32 $0x8000, v37;
	v42 =	vld.idx.msk [tilespmem:v36+s2+$0x0], $0xffff  }
0x160: {  	v4 =	vadd.s32 $0xC000, v36;
	v3 =	vld.idx.msk [tilespmem:v39+s2+$0x0], $0xffff  }
0x161: {  	v2 =	vadd.s32 $0xC000, v37;
	v44 =	vld.idx.msk [tilespmem:v37+s2+$0x0], $0xffff  }
0x162: {  	v1 =	vld.idx.msk [tilespmem:v40+s2+$0x0], $0xffff  }
0x163: {  	v0 =	vld.idx.msk [tilespmem:v41+s2+$0x0], $0xffff  }
0x164: {  	v6 =	vld.idx.msk [tilespmem:v43+s2+$0x0], $0xffff  }
0x165: {  	v4 =	vld.idx.msk [tilespmem:v4+s2+$0x0], $0xffff  }
0x166: {  	v2 =	vld.idx.msk [tilespmem:v2+s2+$0x0], $0xffff;
	v45 =	vmul.f32 v42, v42;
	v46 =	vmul.f32 v3, v3  }
0x167: {  	v47 =	vmul.f32 v44, v44;
	v48 =	vmul.f32 v1, v1  }
0x168: {  	v49 =	vmul.f32 v0, v0;
	v8 =	vadd.f32 v46, v45  }
0x169: {  	v50 =	vmul.f32 v6, v6;
	v10 =	vadd.f32 v48, v47  }
0x16a: {  	v51 =	vmul.f32 v4, v4;
	v8 =	vadd.f32 v49, v8  }
0x16b: {  	v52 =	vmul.f32 v2, v2;
	v10 =	vadd.f32 v50, v10  }
0x16c: {  	v8 =	vadd.f32 v51, v8  }
0x16d: {  	v53 =	vadd.f32 v52, v10  }
0x16e: {  	v54 =	vshrl.u32 v8, $0x1;
	v55 =	vmul.f32 $5.000000000e-01, v8  }
0x16f: {  	v56 =	vshrl.u32 v53, $0x1;
	v57 =	vmul.f32 $5.000000000e-01, v53;
	v10 =	vsub.s32 $0x5F3759DF, v54  }
0x170: {  	v12 =	vsub.s32 $0x5F3759DF, v56;
	v58 =	vmul.f32 v10, v55  }
0x171: {  	v59 =	vmul.f32 v12, v57  }
0x172: {  	v14 =	vmul.f32 v10, v58  }
0x173: {  	v15 =	vmul.f32 v12, v59  }
0x174: {  	v14 =	vsub.f32 $1.500000000e+00, v14  }
0x175: {  	v15 =	vsub.f32 $1.500000000e+00, v15  }
0x176: {  	v10 =	vmul.f32 v10, v14  }
0x177: {  	v12 =	vmul.f32 v12, v15  }
0x178: {  	v14 =	vmul.f32 v10, v55  }
0x179: {  	v15 =	vmul.f32 v12, v57  }
0x17a: {  	v14 =	vmul.f32 v14, v10  }
0x17b: {  	v15 =	vmul.f32 v15, v12  }
0x17c: {  	v14 =	vsub.f32 $1.500000000e+00, v14  }
0x17d: {  	v15 =	vsub.f32 $1.500000000e+00, v15  }
0x17e: {  	v10 =	vmul.f32 v14, v10  }
0x17f: {  	v12 =	vmul.f32 v15, v12  }
0x180: {  	v11 =	vmul.f32 v10, v55  }
0x181: {  	v13 =	vmul.f32 v12, v57  }
0x182: {  	v11 =	vmul.f32 v11, v10  }
0x183: {  	v13 =	vmul.f32 v13, v12  }
0x184: {  	v11 =	vsub.f32 $1.500000000e+00, v11  }
0x185: {  	v13 =	vsub.f32 $1.500000000e+00, v13  }
0x186: {  	v10 =	vmul.f32 v11, v10  }
0x187: {  	v60 =	vmul.f32 v13, v12  }
0x188: {  	v8 =	vmul.f32 v10, v8  }
0x189: {  	v9 =	vmul.f32 v60, v53  }
0x18a: {  	v8 =	vadd.f32 $1.000000010e-10, v8  }
0x18b: {  	v9 =	vadd.f32 $1.000000010e-10, v9  }
0x18c: {  	(erf) = vrcp.f32 v8  }
0x18d: {  	(erf) = vrcp.f32 v9;
	_ =	sdelay $0x7  }
0x18e: {  	v8 =	vpop (erf)  }
0x18f: {  	v5 =	vmul.f32 v8, v42;
	v3 =	vmul.f32 v8, v3;
	v9 =	vpop (erf)  }
0x190: {  	v7 =	vmul.f32 v9, v44;
	v1 =	vmul.f32 v9, v1  }
0x191: {  	v0 =	vmul.f32 v8, v0  }
0x192: {  	v6 =	vmul.f32 v9, v6;
	v5 =	vsub.f32 v5, v7;
	v1 =	vsub.f32 v3, v1  }
0x193: {  	v61 =	vmul.f32 v8, v4;
	v2 =	vmul.f32 v9, v2  }
0x194: {  	v0 =	vsub.f32 v0, v6;
	v62 =	vand.u32 $0x7FFFFFFF, v5;
	v1 =	vand.u32 $0x7FFFFFFF, v1  }
0x195: {  	v1 =	vadd.f32 v1, v62  }
0x196: {  	v2 =	vsub.f32 v61, v2;
	v0 =	vand.u32 $0x7FFFFFFF, v0  }
0x197: {  	v0 =	vadd.f32 v1, v0  }
0x198: {  	v63 =	vand.u32 $0x7FFFFFFF, v2  }
0x199: {  	v0 =	vadd.f32 v0, v63;
	_ =	sdelay $0x1  }
0x19a: {  	v0 =	vsub.f32 $1.000000000e+00, v0  }
0x19b: {  	s15 =	sadd.s32 $0x1, s15  }
0x19c: {  	p0 =	sne.s32 s15, s7;
	v0 =	vmax.f32 v0, $0.0e+00  }
.Ltmp1:
0x19d: {  	[tilespmem:s19+$0x10280] =	vst v0;
	(pc) =	sbr.rel @p0 .LBB2_1-.Ltmp1, $4  }
0x19e: {  	[hbm4b:s6+s12] =	stream.strided.scatter [tilespmem:s14], [sflag:$0x2], $0x100, s13, s12, $0x38;
	[tilespmem:$0x10300] =	vst v63  }
0x19f: {  	_ =	swait.ge [sflag:s9], $0x100  }
0x1a0: {  	[sflag:s9] =	ssyncset.done $0x0  }
0x1a1: {  	[sflag:s9] =	ssyncadd.s32 $0xFFFFFF00  }
0x1a2: {  	_ =	sfence.sel $0x180000  }
0x1a3: {  	[bflag:$0x0] =	sbarrier.arrive $0xFFFF  }
0x1a4: {  	p0 =	sne.s32 s1, $0x0;
	_ =	strace $0x90000047  }
0x1a5: {  	s0 =	sadd.s32 @!p0 $0x100000, s0;
	[bflag:$0x2] =	sbarrier.arrive $0xFFFF  }
0x1a6: {  	[sflag:s0] =	ssyncadd.tile.s32 @!p0 $0x1;
	_ =	shalt  }
.Lfunc_end2:
_tile_overlayer_lowered:
.L_overlay_start_2:
0x1a7: {  	(tag) =	ssettag $0x2  }
0x1a8: {  	s0 =	rddreg [dreg:$0x0];
	s2 =	stileid.u32  }
0x1a9: {  	s1 =	rddreg [dreg:$0x1];
	p0 =	sne.s32 s2, $0x0  }
0x1aa: {  	s3 =	rddreg [dreg:$0x2];
	[bflag:$0x3] =	sbarrier.arrive $0xFFFF;
	s2 =	simm.s32 @!p0 $0x1C02  }
0x1ab: {  	[timem:s3], [sflag:s2] =	dma.local @!p0 [hbm:s0], s1  }
0x1ac: {  	s0 =	simm.s32 @!p0 $0x2  }
0x1ad: {  	_ =	swait.ge @!p0 [sflag:s0], s1  }
0x1ae: {  	s1 =	ssub.s32 @!p0 $0x0, s1;
	[sflag:s0] =	ssyncset.done @!p0 $0x0  }
0x1af: {  	[sflag:s0] =	ssyncadd.s32 @!p0 s1  }
0x1b0: {  	[bflag:$0x3] =	sbarrier.arrive $0xFFFF  }
0x1b1: {  	_ =	shalt  }

</sc_bundles>
